<compile_context>
chip_gen: v7x
topology: tpu7x:2x2x1
jax: 0.10.2.dev20260603
libtpu: 0.0.44.dev20260713+nightly
codegen_flags: <defaults>
</compile_context>

<pallas_src>
import functools

import jax
import jax.numpy as jnp
from jax import lax
from jax.experimental import pallas as pl
from jax.experimental.pallas import tpu as pltpu
from jax.experimental.pallas import tpu_sc as plsc

N, K, D = 16384, 100000, 64
NC, NS, LANES = 2, 16, 16
NW = NC * NS
ROWS_PER_W = N // NW
CHUNK = 128
NCHUNK = ROWS_PER_W // CHUNK
PCHUNK = 8192
NSTEP = -(-K // PCHUNK)
KP = NSTEP * PCHUNK


def _pack_body(eT_ref, vT_ref, ev_ref):
    i = lax.broadcasted_iota(jnp.int32, (D, D), 0)
    j = lax.broadcasted_iota(jnp.int32, (D, D), 1)
    eye = (i == j).astype(jnp.float32)
    dims = (((0,), (0,)), ((), ()))
    ev_ref[:, 0:D] = eT_ref[...].T
    ev_ref[:, D:2 * D] = lax.dot_general(
        vT_ref[...], eye, dims, preferred_element_type=jnp.float32)


def _pack_tables(exT, varT):
    return pl.pallas_call(
        _pack_body,
        grid=(NSTEP,),
        in_specs=[
            pl.BlockSpec((D, PCHUNK), lambda i: (0, i)),
            pl.BlockSpec((D, PCHUNK), lambda i: (0, i)),
        ],
        out_specs=pl.BlockSpec((PCHUNK, 2 * D), lambda i: (i, 0)),
        out_shape=jax.ShapeDtypeStruct((KP, 2 * D), jnp.float32),
    )(exT, varT)


def _sc_body(featT_hbm, idx_hbm, ev_hbm, out_hbm,
             idx_v, feat_v, ev_v, acc_v, sems):
    c = lax.axis_index("c")
    s = lax.axis_index("s")
    wid = s * NC + c
    base = wid * ROWS_PER_W

    pltpu.sync_copy(idx_hbm.at[pl.ds(base, ROWS_PER_W)], idx_v)
    pltpu.sync_copy(featT_hbm.at[:, pl.ds(base, ROWS_PER_W)], feat_v)

    def gather(j, buf):
        isl = idx_v.at[pl.ds(j * CHUNK, CHUNK)]
        return pltpu.async_copy(ev_hbm.at[isl], ev_v.at[buf], sems.at[buf])

    iota = lax.iota(jnp.int32, LANES)
    zero = jnp.zeros((LANES,), jnp.float32)
    accs = (zero, zero, zero, zero)
    pending = gather(0, 0)
    for j in range(NCHUNK):
        pending.wait()
        if j + 1 < NCHUNK:
            pending = gather(j + 1, (j + 1) % 2)
        buf = j % 2

        def row_body(r, accs):
            a0, a1, a2, a3 = accs
            p = jnp.full((LANES,), j * CHUNK + r, jnp.int32)
            f0 = plsc.load_gather(feat_v, [iota, p])
            e0 = ev_v[buf, r, pl.ds(0, LANES)]
            v0 = ev_v[buf, r, pl.ds(D, LANES)]
            a0 = a0 + jnp.abs(f0 - e0) / v0
            f1 = plsc.load_gather(feat_v, [iota + LANES, p])
            e1 = ev_v[buf, r, pl.ds(LANES, LANES)]
            v1 = ev_v[buf, r, pl.ds(D + LANES, LANES)]
            a1 = a1 + jnp.abs(f1 - e1) / v1
            f2 = plsc.load_gather(feat_v, [iota + 2 * LANES, p])
            e2 = ev_v[buf, r, pl.ds(2 * LANES, LANES)]
            v2 = ev_v[buf, r, pl.ds(D + 2 * LANES, LANES)]
            a2 = a2 + jnp.abs(f2 - e2) / v2
            f3 = plsc.load_gather(feat_v, [iota + 3 * LANES, p])
            e3 = ev_v[buf, r, pl.ds(3 * LANES, LANES)]
            v3 = ev_v[buf, r, pl.ds(D + 3 * LANES, LANES)]
            a3 = a3 + jnp.abs(f3 - e3) / v3
            return (a0, a1, a2, a3)

        accs = lax.fori_loop(0, CHUNK, row_body, accs)

    acc_v[...] = (accs[0] + accs[1]) + (accs[2] + accs[3])
    pltpu.sync_copy(acc_v, out_hbm.at[wid])


@jax.jit
def _sc_loss(featT, idx, exT, varT):
    ev2 = _pack_tables(exT, varT)
    mesh = plsc.VectorSubcoreMesh(core_axis_name="c", subcore_axis_name="s")
    partials = pl.kernel(
        _sc_body,
        mesh=mesh,
        out_type=jax.ShapeDtypeStruct((NW, LANES), jnp.float32),
        compiler_params=pltpu.CompilerParams(
            use_tc_tiling_on_sc=True, needs_layout_passes=False),
        scratch_types=[
            pltpu.VMEM((ROWS_PER_W,), jnp.int32),
            pltpu.VMEM((D, ROWS_PER_W), jnp.float32),
            pltpu.VMEM((2, CHUNK, 2 * D), jnp.float32),
            pltpu.VMEM((LANES,), jnp.float32),
            pltpu.SemaphoreType.DMA((2,)),
        ],
    )(featT, idx, ev2)
    return jnp.sum(partials) / jnp.float32(N)


def kernel(action_features_actionframes, action_idxs_actionframes,
           examplars, examplars_variances):
    idx = action_idxs_actionframes.astype(jnp.int32)
    featT = action_features_actionframes.T
    return _sc_loss(featT, idx, examplars.T, examplars_variances.T)

# --- scband reference (transcript-rebuilt; emitter-appended) ---
"""Pipeline reference for scband-action-similar-to-examplars-loss-68856915690203 (READ-ONLY COPY).

The authoritative reference and input builder live on the scoring server;
editing this copy changes nothing except your own understanding.
"""

import jax, jax.numpy as jnp
import numpy as np


def setup_inputs(seed: int = 0) -> dict:
    key = jax.random.key(seed)
    k1, k2, k3, k4 = jax.random.split(key, 4)
    N, K, D = 16384, 100000, 64
    return {
        "action_features_actionframes": jax.random.normal(k1, (N, D), dtype=jnp.float32),
        "action_idxs_actionframes": jax.random.randint(k2, (N,), 0, K, dtype=jnp.int64) if jax.config.jax_enable_x64 else jax.random.randint(k2, (N,), 0, K, dtype=jnp.int32),
        "examplars": jax.random.normal(k3, (K, D), dtype=jnp.float32),
        "examplars_variances": jax.random.uniform(k4, (K, D), dtype=jnp.float32, minval=0.0, maxval=1.0),
    }


def reference(action_features_actionframes, action_idxs_actionframes, examplars, examplars_variances):
    # embedding-style gathers: examplars[action_idxs], variances[action_idxs]
    examplars_matrix_ordered = jnp.take(examplars, action_idxs_actionframes, axis=0)
    variances_matrix_ordered = jnp.take(examplars_variances, action_idxs_actionframes, axis=0)
    action_similar_to_examplars_loss = jnp.mean(
        jnp.sum(jnp.abs(action_features_actionframes - examplars_matrix_ordered) / variances_matrix_ordered, axis=1)
    )
    return action_similar_to_examplars_loss

if __name__ == "__main__":
    import jax
    _d = setup_inputs()
    print(jax.jit(kernel)(*tuple(_d.values())))

</pallas_src>

<mosaic_0001>
#map = affine_map<(d0, d1) -> (0, 0)>
#map1 = affine_map<(d0, d1) -> (0)>
module attributes {stable_mosaic.version = 14 : i64} {
  func.func @_sc_body(%arg0: i32, %arg1: i32, %arg2: memref<64x16384xf32, #tpu.memory_space<hbm>>, %arg3: memref<16384xi32, #tpu.memory_space<hbm>>, %arg4: memref<106496x128xf32, #tpu.memory_space<hbm>>, %arg5: memref<32x16xf32, #tpu.memory_space<hbm>>, %arg6: memref<512xi32, #tpu.memory_space<vmem>>, %arg7: memref<64x512xf32, #tpu.memory_space<vmem>>, %arg8: memref<2x128x128xf32, #tpu.memory_space<vmem>>, %arg9: memref<16xf32, #tpu.memory_space<vmem>>, %arg10: memref<2x!tpu.dma_semaphore, #tpu.memory_space<semaphore_mem>>) attributes {dimension_semantics = [#tpu.dimension_semantics<core_parallel>, #tpu.dimension_semantics<subcore_parallel>], iteration_bounds = array<i64: 2, 16>, scalar_prefetch = 0 : i64, scratch_operands = 5 : i64, tpu.core_type = #tpu.core_type<sc_vector_subcore>, window_params = [{transform_indices = #map}, {transform_indices = #map1}, {transform_indices = #map}, {transform_indices = #map}]} {
    %mul3A = arith.constant 2 : i32
    %mul3A_0 = arith.muli %arg1, %mul3A : i32
    %add3A = arith.addi %mul3A_0, %arg0 : i32
    %mul3A_1 = arith.constant 512 : i32
    %mul3A_2 = arith.muli %add3A, %mul3A_1 : i32
    "tpu.region"() ({
      %run_scoped3A = tpu.sem_alloc : memref<!tpu.dma_semaphore, #tpu.memory_space<semaphore_mem>>
      %dma_start3A_133 = tpu.memref_slice %arg3[%mul3A_2] : memref<16384xi32, #tpu.memory_space<hbm>> -> memref<512xi32, #tpu.memory_space<hbm>>
      %dma_start3A_134 = tpu.memref_slice %arg3[%mul3A_2] : memref<16384xi32, #tpu.memory_space<hbm>> -> memref<512xi32, #tpu.memory_space<hbm>>
      tpu.enqueue_dma source(%dma_start3A_134 : memref<512xi32, #tpu.memory_space<hbm>>) target(%arg6 : memref<512xi32, #tpu.memory_space<vmem>>) target_semaphore(%run_scoped3A : memref<!tpu.dma_semaphore, #tpu.memory_space<semaphore_mem>>)
      %dma_wait3A_135 = tpu.memref_slice %arg3[%mul3A_2] : memref<16384xi32, #tpu.memory_space<hbm>> -> memref<512xi32, #tpu.memory_space<hbm>>
      %dma_wait3A_136 = tpu.memref_slice %arg3[%mul3A_2] : memref<16384xi32, #tpu.memory_space<hbm>> -> memref<512xi32, #tpu.memory_space<hbm>>
      tpu.wait_dma2 semaphore(%run_scoped3A : memref<!tpu.dma_semaphore, #tpu.memory_space<semaphore_mem>>) src(%dma_wait3A_136 : memref<512xi32, #tpu.memory_space<hbm>>) dst(%arg6 : memref<512xi32, #tpu.memory_space<vmem>>)
      tpu.yield
    }) : () -> ()
    "tpu.region"() ({
      %run_scoped3A = tpu.sem_alloc : memref<!tpu.dma_semaphore, #tpu.memory_space<semaphore_mem>>
      %dma_start3A_133 = arith.constant 0 : i32
      %dma_start3A_134 = tpu.memref_slice %arg2[%dma_start3A_133, %mul3A_2] : memref<64x16384xf32, #tpu.memory_space<hbm>> -> memref<64x512xf32, #tpu.memory_space<hbm>>
      %dma_start3A_135 = arith.constant 0 : i32
      %dma_start3A_136 = tpu.memref_slice %arg2[%dma_start3A_135, %mul3A_2] : memref<64x16384xf32, #tpu.memory_space<hbm>> -> memref<64x512xf32, #tpu.memory_space<hbm>>
      tpu.enqueue_dma source(%dma_start3A_136 : memref<64x512xf32, #tpu.memory_space<hbm>>) target(%arg7 : memref<64x512xf32, #tpu.memory_space<vmem>>) target_semaphore(%run_scoped3A : memref<!tpu.dma_semaphore, #tpu.memory_space<semaphore_mem>>)
      %dma_wait3A_137 = arith.constant 0 : i32
      %dma_wait3A_138 = tpu.memref_slice %arg2[%dma_wait3A_137, %mul3A_2] : memref<64x16384xf32, #tpu.memory_space<hbm>> -> memref<64x512xf32, #tpu.memory_space<hbm>>
      %dma_wait3A_139 = arith.constant 0 : i32
      %dma_wait3A_140 = tpu.memref_slice %arg2[%dma_wait3A_139, %mul3A_2] : memref<64x16384xf32, #tpu.memory_space<hbm>> -> memref<64x512xf32, #tpu.memory_space<hbm>>
      tpu.wait_dma2 semaphore(%run_scoped3A : memref<!tpu.dma_semaphore, #tpu.memory_space<semaphore_mem>>) src(%dma_wait3A_140 : memref<64x512xf32, #tpu.memory_space<hbm>>) dst(%arg7 : memref<64x512xf32, #tpu.memory_space<vmem>>)
      tpu.yield
    }) : () -> ()
    %iota3A = tpu.iota {dimensions = array<i32: 0>} : vector<16xi32>
    %broadcast_in_dim3A = arith.constant 0.000000e+00 : f32
    %broadcast_in_dim3A_3 = vector.broadcast %broadcast_in_dim3A : f32 to vector<16xf32>
    %dma_start3A = arith.constant 0 : i32
    %dma_start3A_4 = arith.constant 0 : i32
    %dma_start3A_5 = arith.constant 0 : i32
    %dma_start3A_6 = arith.constant 0 : i32
    %dma_start3A_7 = tpu.memref_slice %arg8[%dma_start3A, %dma_start3A_5, %dma_start3A_6] : memref<2x128x128xf32, #tpu.memory_space<vmem>> -> memref<1x128x128xf32, #tpu.memory_space<vmem>>
    %dma_start3A_8 = tpu.memref_squeeze %dma_start3A_7 : memref<1x128x128xf32, #tpu.memory_space<vmem>> -> memref<128x128xf32, #tpu.memory_space<vmem>>
    %dma_start3A_9 = arith.constant 0 : i32
    %dma_start3A_10 = tpu.memref_slice %arg6[%dma_start3A_9] : memref<512xi32, #tpu.memory_space<vmem>> -> memref<128xi32, #tpu.memory_space<vmem>>
    %dma_start3A_11 = arith.constant 0 : i32
    %dma_start3A_12 = arith.constant 0 : i32
    %dma_start3A_13 = tpu.memref_slice %arg4[%dma_start3A_11, %dma_start3A_12] : memref<106496x128xf32, #tpu.memory_space<hbm>> -> memref<106496x128xf32, #tpu.memory_space<hbm>>
    %dma_start3A_14 = tpu.memref_slice %arg10[%dma_start3A_4] : memref<2x!tpu.dma_semaphore, #tpu.memory_space<semaphore_mem>> -> memref<1x!tpu.dma_semaphore, #tpu.memory_space<semaphore_mem>>
    %dma_start3A_15 = tpu.memref_squeeze %dma_start3A_14 : memref<1x!tpu.dma_semaphore, #tpu.memory_space<semaphore_mem>> -> memref<!tpu.dma_semaphore, #tpu.memory_space<semaphore_mem>>
    tpu.enqueue_indirect_dma source(%dma_start3A_13 : memref<106496x128xf32, #tpu.memory_space<hbm>>) target(%dma_start3A_8 : memref<128x128xf32, #tpu.memory_space<vmem>>) offsets(%dma_start3A_10 : memref<128xi32, #tpu.memory_space<vmem>>) semaphore(%dma_start3A_15 : memref<!tpu.dma_semaphore, #tpu.memory_space<semaphore_mem>>)
    %dma_wait3A = arith.constant 0 : i32
    %dma_wait3A_16 = arith.constant 0 : i32
    %dma_wait3A_17 = arith.constant 0 : i32
    %dma_wait3A_18 = arith.constant 0 : i32
    %dma_wait3A_19 = tpu.memref_slice %arg8[%dma_wait3A, %dma_wait3A_17, %dma_wait3A_18] : memref<2x128x128xf32, #tpu.memory_space<vmem>> -> memref<1x128x128xf32, #tpu.memory_space<vmem>>
    %dma_wait3A_20 = tpu.memref_squeeze %dma_wait3A_19 : memref<1x128x128xf32, #tpu.memory_space<vmem>> -> memref<128x128xf32, #tpu.memory_space<vmem>>
    %dma_wait3A_21 = arith.constant 0 : i32
    %dma_wait3A_22 = tpu.memref_slice %arg6[%dma_wait3A_21] : memref<512xi32, #tpu.memory_space<vmem>> -> memref<128xi32, #tpu.memory_space<vmem>>
    %dma_wait3A_23 = arith.constant 0 : i32
    %dma_wait3A_24 = arith.constant 0 : i32
    %dma_wait3A_25 = tpu.memref_slice %arg4[%dma_wait3A_23, %dma_wait3A_24] : memref<106496x128xf32, #tpu.memory_space<hbm>> -> memref<106496x128xf32, #tpu.memory_space<hbm>>
    %dma_wait3A_26 = tpu.memref_slice %arg10[%dma_wait3A_16] : memref<2x!tpu.dma_semaphore, #tpu.memory_space<semaphore_mem>> -> memref<1x!tpu.dma_semaphore, #tpu.memory_space<semaphore_mem>>
    %dma_wait3A_27 = tpu.memref_squeeze %dma_wait3A_26 : memref<1x!tpu.dma_semaphore, #tpu.memory_space<semaphore_mem>> -> memref<!tpu.dma_semaphore, #tpu.memory_space<semaphore_mem>>
    tpu.wait_indirect_dma semaphore(%dma_wait3A_27 : memref<!tpu.dma_semaphore, #tpu.memory_space<semaphore_mem>>) src(%dma_wait3A_25 : memref<106496x128xf32, #tpu.memory_space<hbm>>) dst(%dma_wait3A_20 : memref<128x128xf32, #tpu.memory_space<vmem>>)
    %dma_start3A_28 = arith.constant 1 : i32
    %dma_start3A_29 = arith.constant 1 : i32
    %dma_start3A_30 = arith.constant 0 : i32
    %dma_start3A_31 = arith.constant 0 : i32
    %dma_start3A_32 = tpu.memref_slice %arg8[%dma_start3A_28, %dma_start3A_30, %dma_start3A_31] : memref<2x128x128xf32, #tpu.memory_space<vmem>> -> memref<1x128x128xf32, #tpu.memory_space<vmem>>
    %dma_start3A_33 = tpu.memref_squeeze %dma_start3A_32 : memref<1x128x128xf32, #tpu.memory_space<vmem>> -> memref<128x128xf32, #tpu.memory_space<vmem>>
    %dma_start3A_34 = arith.constant 128 : i32
    %dma_start3A_35 = tpu.memref_slice %arg6[%dma_start3A_34] : memref<512xi32, #tpu.memory_space<vmem>> -> memref<128xi32, #tpu.memory_space<vmem>>
    %dma_start3A_36 = arith.constant 0 : i32
    %dma_start3A_37 = arith.constant 0 : i32
    %dma_start3A_38 = tpu.memref_slice %arg4[%dma_start3A_36, %dma_start3A_37] : memref<106496x128xf32, #tpu.memory_space<hbm>> -> memref<106496x128xf32, #tpu.memory_space<hbm>>
    %dma_start3A_39 = tpu.memref_slice %arg10[%dma_start3A_29] : memref<2x!tpu.dma_semaphore, #tpu.memory_space<semaphore_mem>> -> memref<1x!tpu.dma_semaphore, #tpu.memory_space<semaphore_mem>>
    %dma_start3A_40 = tpu.memref_squeeze %dma_start3A_39 : memref<1x!tpu.dma_semaphore, #tpu.memory_space<semaphore_mem>> -> memref<!tpu.dma_semaphore, #tpu.memory_space<semaphore_mem>>
    tpu.enqueue_indirect_dma source(%dma_start3A_38 : memref<106496x128xf32, #tpu.memory_space<hbm>>) target(%dma_start3A_33 : memref<128x128xf32, #tpu.memory_space<vmem>>) offsets(%dma_start3A_35 : memref<128xi32, #tpu.memory_space<vmem>>) semaphore(%dma_start3A_40 : memref<!tpu.dma_semaphore, #tpu.memory_space<semaphore_mem>>)
    %scan3A = arith.constant 0 : i32
    %scan3A_41 = arith.constant 128 : i32
    %scan3A_42 = arith.addi %scan3A, %scan3A_41 : i32
    %scan3A_43 = arith.constant 1 : i32
    %scan3A_44:4 = scf.for %scan3A_133 = %scan3A to %scan3A_42 step %scan3A_43 iter_args(%scan3A_134 = %broadcast_in_dim3A_3, %scan3A_135 = %broadcast_in_dim3A_3, %scan3A_136 = %broadcast_in_dim3A_3, %scan3A_137 = %broadcast_in_dim3A_3) -> (vector<16xf32>, vector<16xf32>, vector<16xf32>, vector<16xf32>)  : i32 {
      %add3A_138 = arith.constant 0 : i32
      %add3A_139 = arith.addi %add3A_138, %scan3A_133 : i32
      %broadcast_in_dim3A_140 = vector.broadcast %add3A_139 : i32 to vector<16xi32>
      %gather3A = tpu.vector_load_idx %arg7[%iota3A, %broadcast_in_dim3A_140] : memref<64x512xf32, #tpu.memory_space<vmem>>[vector<16xi32>, vector<16xi32>], vector<16xf32>,
      %get3A = arith.constant 0 : i32
      %get3A_141 = arith.index_cast %get3A : i32 to index
      %get3A_142 = arith.index_cast %scan3A_133 : i32 to index
      %get3A_143 = arith.constant 0 : index
      %get3A_144 = tpu.vector_load %arg8[%get3A_141, %get3A_142, %get3A_143] {strides = array<i32>} : memref<2x128x128xf32, #tpu.memory_space<vmem>>, vector<16xf32>,
      %get3A_145 = arith.constant 0 : i32
      %get3A_146 = arith.index_cast %get3A_145 : i32 to index
      %get3A_147 = arith.index_cast %scan3A_133 : i32 to index
      %get3A_148 = arith.constant 64 : index
      %get3A_149 = tpu.vector_load %arg8[%get3A_146, %get3A_147, %get3A_148] {strides = array<i32>} : memref<2x128x128xf32, #tpu.memory_space<vmem>>, vector<16xf32>,
      %sub3A = arith.subf %gather3A, %get3A_144 : vector<16xf32>
      %abs3A = math.absf %sub3A : vector<16xf32>
      %div3A = arith.divf %abs3A, %get3A_149 : vector<16xf32>
      %add3A_150 = arith.addf %scan3A_134, %div3A : vector<16xf32>
      %add3A_151 = arith.constant 16 : i32
      %add3A_152 = vector.broadcast %add3A_151 : i32 to vector<16xi32>
      %add3A_153 = arith.addi %iota3A, %add3A_152 : vector<16xi32>
      %gather3A_154 = tpu.vector_load_idx %arg7[%add3A_153, %broadcast_in_dim3A_140] : memref<64x512xf32, #tpu.memory_space<vmem>>[vector<16xi32>, vector<16xi32>], vector<16xf32>,
      %get3A_155 = arith.constant 0 : i32
      %get3A_156 = arith.index_cast %get3A_155 : i32 to index
      %get3A_157 = arith.index_cast %scan3A_133 : i32 to index
      %get3A_158 = arith.constant 16 : index
      %get3A_159 = tpu.vector_load %arg8[%get3A_156, %get3A_157, %get3A_158] {strides = array<i32>} : memref<2x128x128xf32, #tpu.memory_space<vmem>>, vector<16xf32>,
      %get3A_160 = arith.constant 0 : i32
      %get3A_161 = arith.index_cast %get3A_160 : i32 to index
      %get3A_162 = arith.index_cast %scan3A_133 : i32 to index
      %get3A_163 = arith.constant 80 : index
      %get3A_164 = tpu.vector_load %arg8[%get3A_161, %get3A_162, %get3A_163] {strides = array<i32>} : memref<2x128x128xf32, #tpu.memory_space<vmem>>, vector<16xf32>,
      %sub3A_165 = arith.subf %gather3A_154, %get3A_159 : vector<16xf32>
      %abs3A_166 = math.absf %sub3A_165 : vector<16xf32>
      %div3A_167 = arith.divf %abs3A_166, %get3A_164 : vector<16xf32>
      %add3A_168 = arith.addf %scan3A_135, %div3A_167 : vector<16xf32>
      %add3A_169 = arith.constant 32 : i32
      %add3A_170 = vector.broadcast %add3A_169 : i32 to vector<16xi32>
      %add3A_171 = arith.addi %iota3A, %add3A_170 : vector<16xi32>
      %gather3A_172 = tpu.vector_load_idx %arg7[%add3A_171, %broadcast_in_dim3A_140] : memref<64x512xf32, #tpu.memory_space<vmem>>[vector<16xi32>, vector<16xi32>], vector<16xf32>,
      %get3A_173 = arith.constant 0 : i32
      %get3A_174 = arith.index_cast %get3A_173 : i32 to index
      %get3A_175 = arith.index_cast %scan3A_133 : i32 to index
      %get3A_176 = arith.constant 32 : index
      %get3A_177 = tpu.vector_load %arg8[%get3A_174, %get3A_175, %get3A_176] {strides = array<i32>} : memref<2x128x128xf32, #tpu.memory_space<vmem>>, vector<16xf32>,
      %get3A_178 = arith.constant 0 : i32
      %get3A_179 = arith.index_cast %get3A_178 : i32 to index
      %get3A_180 = arith.index_cast %scan3A_133 : i32 to index
      %get3A_181 = arith.constant 96 : index
      %get3A_182 = tpu.vector_load %arg8[%get3A_179, %get3A_180, %get3A_181] {strides = array<i32>} : memref<2x128x128xf32, #tpu.memory_space<vmem>>, vector<16xf32>,
      %sub3A_183 = arith.subf %gather3A_172, %get3A_177 : vector<16xf32>
      %abs3A_184 = math.absf %sub3A_183 : vector<16xf32>
      %div3A_185 = arith.divf %abs3A_184, %get3A_182 : vector<16xf32>
      %add3A_186 = arith.addf %scan3A_136, %div3A_185 : vector<16xf32>
      %add3A_187 = arith.constant 48 : i32
      %add3A_188 = vector.broadcast %add3A_187 : i32 to vector<16xi32>
      %add3A_189 = arith.addi %iota3A, %add3A_188 : vector<16xi32>
      %gather3A_190 = tpu.vector_load_idx %arg7[%add3A_189, %broadcast_in_dim3A_140] : memref<64x512xf32, #tpu.memory_space<vmem>>[vector<16xi32>, vector<16xi32>], vector<16xf32>,
      %get3A_191 = arith.constant 0 : i32
      %get3A_192 = arith.index_cast %get3A_191 : i32 to index
      %get3A_193 = arith.index_cast %scan3A_133 : i32 to index
      %get3A_194 = arith.constant 48 : index
      %get3A_195 = tpu.vector_load %arg8[%get3A_192, %get3A_193, %get3A_194] {strides = array<i32>} : memref<2x128x128xf32, #tpu.memory_space<vmem>>, vector<16xf32>,
      %get3A_196 = arith.constant 0 : i32
      %get3A_197 = arith.index_cast %get3A_196 : i32 to index
      %get3A_198 = arith.index_cast %scan3A_133 : i32 to index
      %get3A_199 = arith.constant 112 : index
      %get3A_200 = tpu.vector_load %arg8[%get3A_197, %get3A_198, %get3A_199] {strides = array<i32>} : memref<2x128x128xf32, #tpu.memory_space<vmem>>, vector<16xf32>,
      %sub3A_201 = arith.subf %gather3A_190, %get3A_195 : vector<16xf32>
      %abs3A_202 = math.absf %sub3A_201 : vector<16xf32>
      %div3A_203 = arith.divf %abs3A_202, %get3A_200 : vector<16xf32>
      %add3A_204 = arith.addf %scan3A_137, %div3A_203 : vector<16xf32>
      scf.yield %add3A_150, %add3A_168, %add3A_186, %add3A_204 : vector<16xf32>, vector<16xf32>, vector<16xf32>, vector<16xf32>
    }
    %scan3A_45 = arith.constant 128 : i32
    %dma_wait3A_46 = arith.constant 1 : i32
    %dma_wait3A_47 = arith.constant 1 : i32
    %dma_wait3A_48 = arith.constant 0 : i32
    %dma_wait3A_49 = arith.constant 0 : i32
    %dma_wait3A_50 = tpu.memref_slice %arg8[%dma_wait3A_46, %dma_wait3A_48, %dma_wait3A_49] : memref<2x128x128xf32, #tpu.memory_space<vmem>> -> memref<1x128x128xf32, #tpu.memory_space<vmem>>
    %dma_wait3A_51 = tpu.memref_squeeze %dma_wait3A_50 : memref<1x128x128xf32, #tpu.memory_space<vmem>> -> memref<128x128xf32, #tpu.memory_space<vmem>>
    %dma_wait3A_52 = arith.constant 128 : i32
    %dma_wait3A_53 = tpu.memref_slice %arg6[%dma_wait3A_52] : memref<512xi32, #tpu.memory_space<vmem>> -> memref<128xi32, #tpu.memory_space<vmem>>
    %dma_wait3A_54 = arith.constant 0 : i32
    %dma_wait3A_55 = arith.constant 0 : i32
    %dma_wait3A_56 = tpu.memref_slice %arg4[%dma_wait3A_54, %dma_wait3A_55] : memref<106496x128xf32, #tpu.memory_space<hbm>> -> memref<106496x128xf32, #tpu.memory_space<hbm>>
    %dma_wait3A_57 = tpu.memref_slice %arg10[%dma_wait3A_47] : memref<2x!tpu.dma_semaphore, #tpu.memory_space<semaphore_mem>> -> memref<1x!tpu.dma_semaphore, #tpu.memory_space<semaphore_mem>>
    %dma_wait3A_58 = tpu.memref_squeeze %dma_wait3A_57 : memref<1x!tpu.dma_semaphore, #tpu.memory_space<semaphore_mem>> -> memref<!tpu.dma_semaphore, #tpu.memory_space<semaphore_mem>>
    tpu.wait_indirect_dma semaphore(%dma_wait3A_58 : memref<!tpu.dma_semaphore, #tpu.memory_space<semaphore_mem>>) src(%dma_wait3A_56 : memref<106496x128xf32, #tpu.memory_space<hbm>>) dst(%dma_wait3A_51 : memref<128x128xf32, #tpu.memory_space<vmem>>)
    %dma_start3A_59 = arith.constant 0 : i32
    %dma_start3A_60 = arith.constant 0 : i32
    %dma_start3A_61 = arith.constant 0 : i32
    %dma_start3A_62 = arith.constant 0 : i32
    %dma_start3A_63 = tpu.memref_slice %arg8[%dma_start3A_59, %dma_start3A_61, %dma_start3A_62] : memref<2x128x128xf32, #tpu.memory_space<vmem>> -> memref<1x128x128xf32, #tpu.memory_space<vmem>>
    %dma_start3A_64 = tpu.memref_squeeze %dma_start3A_63 : memref<1x128x128xf32, #tpu.memory_space<vmem>> -> memref<128x128xf32, #tpu.memory_space<vmem>>
    %dma_start3A_65 = arith.constant 256 : i32
    %dma_start3A_66 = tpu.memref_slice %arg6[%dma_start3A_65] : memref<512xi32, #tpu.memory_space<vmem>> -> memref<128xi32, #tpu.memory_space<vmem>>
    %dma_start3A_67 = arith.constant 0 : i32
    %dma_start3A_68 = arith.constant 0 : i32
    %dma_start3A_69 = tpu.memref_slice %arg4[%dma_start3A_67, %dma_start3A_68] : memref<106496x128xf32, #tpu.memory_space<hbm>> -> memref<106496x128xf32, #tpu.memory_space<hbm>>
    %dma_start3A_70 = tpu.memref_slice %arg10[%dma_start3A_60] : memref<2x!tpu.dma_semaphore, #tpu.memory_space<semaphore_mem>> -> memref<1x!tpu.dma_semaphore, #tpu.memory_space<semaphore_mem>>
    %dma_start3A_71 = tpu.memref_squeeze %dma_start3A_70 : memref<1x!tpu.dma_semaphore, #tpu.memory_space<semaphore_mem>> -> memref<!tpu.dma_semaphore, #tpu.memory_space<semaphore_mem>>
    tpu.enqueue_indirect_dma source(%dma_start3A_69 : memref<106496x128xf32, #tpu.memory_space<hbm>>) target(%dma_start3A_64 : memref<128x128xf32, #tpu.memory_space<vmem>>) offsets(%dma_start3A_66 : memref<128xi32, #tpu.memory_space<vmem>>) semaphore(%dma_start3A_71 : memref<!tpu.dma_semaphore, #tpu.memory_space<semaphore_mem>>)
    %scan3A_72 = arith.constant 0 : i32
    %scan3A_73 = arith.constant 128 : i32
    %scan3A_74 = arith.addi %scan3A_72, %scan3A_73 : i32
    %scan3A_75 = arith.constant 1 : i32
    %scan3A_76:4 = scf.for %scan3A_133 = %scan3A_72 to %scan3A_74 step %scan3A_75 iter_args(%scan3A_134 = %scan3A_44#0, %scan3A_135 = %scan3A_44#1, %scan3A_136 = %scan3A_44#2, %scan3A_137 = %scan3A_44#3) -> (vector<16xf32>, vector<16xf32>, vector<16xf32>, vector<16xf32>)  : i32 {
      %add3A_138 = arith.constant 128 : i32
      %add3A_139 = arith.addi %add3A_138, %scan3A_133 : i32
      %broadcast_in_dim3A_140 = vector.broadcast %add3A_139 : i32 to vector<16xi32>
      %gather3A = tpu.vector_load_idx %arg7[%iota3A, %broadcast_in_dim3A_140] : memref<64x512xf32, #tpu.memory_space<vmem>>[vector<16xi32>, vector<16xi32>], vector<16xf32>,
      %get3A = arith.constant 1 : i32
      %get3A_141 = arith.index_cast %get3A : i32 to index
      %get3A_142 = arith.index_cast %scan3A_133 : i32 to index
      %get3A_143 = arith.constant 0 : index
      %get3A_144 = tpu.vector_load %arg8[%get3A_141, %get3A_142, %get3A_143] {strides = array<i32>} : memref<2x128x128xf32, #tpu.memory_space<vmem>>, vector<16xf32>,
      %get3A_145 = arith.constant 1 : i32
      %get3A_146 = arith.index_cast %get3A_145 : i32 to index
      %get3A_147 = arith.index_cast %scan3A_133 : i32 to index
      %get3A_148 = arith.constant 64 : index
      %get3A_149 = tpu.vector_load %arg8[%get3A_146, %get3A_147, %get3A_148] {strides = array<i32>} : memref<2x128x128xf32, #tpu.memory_space<vmem>>, vector<16xf32>,
      %sub3A = arith.subf %gather3A, %get3A_144 : vector<16xf32>
      %abs3A = math.absf %sub3A : vector<16xf32>
      %div3A = arith.divf %abs3A, %get3A_149 : vector<16xf32>
      %add3A_150 = arith.addf %scan3A_134, %div3A : vector<16xf32>
      %add3A_151 = arith.constant 16 : i32
      %add3A_152 = vector.broadcast %add3A_151 : i32 to vector<16xi32>
      %add3A_153 = arith.addi %iota3A, %add3A_152 : vector<16xi32>
      %gather3A_154 = tpu.vector_load_idx %arg7[%add3A_153, %broadcast_in_dim3A_140] : memref<64x512xf32, #tpu.memory_space<vmem>>[vector<16xi32>, vector<16xi32>], vector<16xf32>,
      %get3A_155 = arith.constant 1 : i32
      %get3A_156 = arith.index_cast %get3A_155 : i32 to index
      %get3A_157 = arith.index_cast %scan3A_133 : i32 to index
      %get3A_158 = arith.constant 16 : index
      %get3A_159 = tpu.vector_load %arg8[%get3A_156, %get3A_157, %get3A_158] {strides = array<i32>} : memref<2x128x128xf32, #tpu.memory_space<vmem>>, vector<16xf32>,
      %get3A_160 = arith.constant 1 : i32
      %get3A_161 = arith.index_cast %get3A_160 : i32 to index
      %get3A_162 = arith.index_cast %scan3A_133 : i32 to index
      %get3A_163 = arith.constant 80 : index
      %get3A_164 = tpu.vector_load %arg8[%get3A_161, %get3A_162, %get3A_163] {strides = array<i32>} : memref<2x128x128xf32, #tpu.memory_space<vmem>>, vector<16xf32>,
      %sub3A_165 = arith.subf %gather3A_154, %get3A_159 : vector<16xf32>
      %abs3A_166 = math.absf %sub3A_165 : vector<16xf32>
      %div3A_167 = arith.divf %abs3A_166, %get3A_164 : vector<16xf32>
      %add3A_168 = arith.addf %scan3A_135, %div3A_167 : vector<16xf32>
      %add3A_169 = arith.constant 32 : i32
      %add3A_170 = vector.broadcast %add3A_169 : i32 to vector<16xi32>
      %add3A_171 = arith.addi %iota3A, %add3A_170 : vector<16xi32>
      %gather3A_172 = tpu.vector_load_idx %arg7[%add3A_171, %broadcast_in_dim3A_140] : memref<64x512xf32, #tpu.memory_space<vmem>>[vector<16xi32>, vector<16xi32>], vector<16xf32>,
      %get3A_173 = arith.constant 1 : i32
      %get3A_174 = arith.index_cast %get3A_173 : i32 to index
      %get3A_175 = arith.index_cast %scan3A_133 : i32 to index
      %get3A_176 = arith.constant 32 : index
      %get3A_177 = tpu.vector_load %arg8[%get3A_174, %get3A_175, %get3A_176] {strides = array<i32>} : memref<2x128x128xf32, #tpu.memory_space<vmem>>, vector<16xf32>,
      %get3A_178 = arith.constant 1 : i32
      %get3A_179 = arith.index_cast %get3A_178 : i32 to index
      %get3A_180 = arith.index_cast %scan3A_133 : i32 to index
      %get3A_181 = arith.constant 96 : index
      %get3A_182 = tpu.vector_load %arg8[%get3A_179, %get3A_180, %get3A_181] {strides = array<i32>} : memref<2x128x128xf32, #tpu.memory_space<vmem>>, vector<16xf32>,
      %sub3A_183 = arith.subf %gather3A_172, %get3A_177 : vector<16xf32>
      %abs3A_184 = math.absf %sub3A_183 : vector<16xf32>
      %div3A_185 = arith.divf %abs3A_184, %get3A_182 : vector<16xf32>
      %add3A_186 = arith.addf %scan3A_136, %div3A_185 : vector<16xf32>
      %add3A_187 = arith.constant 48 : i32
      %add3A_188 = vector.broadcast %add3A_187 : i32 to vector<16xi32>
      %add3A_189 = arith.addi %iota3A, %add3A_188 : vector<16xi32>
      %gather3A_190 = tpu.vector_load_idx %arg7[%add3A_189, %broadcast_in_dim3A_140] : memref<64x512xf32, #tpu.memory_space<vmem>>[vector<16xi32>, vector<16xi32>], vector<16xf32>,
      %get3A_191 = arith.constant 1 : i32
      %get3A_192 = arith.index_cast %get3A_191 : i32 to index
      %get3A_193 = arith.index_cast %scan3A_133 : i32 to index
      %get3A_194 = arith.constant 48 : index
      %get3A_195 = tpu.vector_load %arg8[%get3A_192, %get3A_193, %get3A_194] {strides = array<i32>} : memref<2x128x128xf32, #tpu.memory_space<vmem>>, vector<16xf32>,
      %get3A_196 = arith.constant 1 : i32
      %get3A_197 = arith.index_cast %get3A_196 : i32 to index
      %get3A_198 = arith.index_cast %scan3A_133 : i32 to index
      %get3A_199 = arith.constant 112 : index
      %get3A_200 = tpu.vector_load %arg8[%get3A_197, %get3A_198, %get3A_199] {strides = array<i32>} : memref<2x128x128xf32, #tpu.memory_space<vmem>>, vector<16xf32>,
      %sub3A_201 = arith.subf %gather3A_190, %get3A_195 : vector<16xf32>
      %abs3A_202 = math.absf %sub3A_201 : vector<16xf32>
      %div3A_203 = arith.divf %abs3A_202, %get3A_200 : vector<16xf32>
      %add3A_204 = arith.addf %scan3A_137, %div3A_203 : vector<16xf32>
      scf.yield %add3A_150, %add3A_168, %add3A_186, %add3A_204 : vector<16xf32>, vector<16xf32>, vector<16xf32>, vector<16xf32>
    }
    %scan3A_77 = arith.constant 128 : i32
    %dma_wait3A_78 = arith.constant 0 : i32
    %dma_wait3A_79 = arith.constant 0 : i32
    %dma_wait3A_80 = arith.constant 0 : i32
    %dma_wait3A_81 = arith.constant 0 : i32
    %dma_wait3A_82 = tpu.memref_slice %arg8[%dma_wait3A_78, %dma_wait3A_80, %dma_wait3A_81] : memref<2x128x128xf32, #tpu.memory_space<vmem>> -> memref<1x128x128xf32, #tpu.memory_space<vmem>>
    %dma_wait3A_83 = tpu.memref_squeeze %dma_wait3A_82 : memref<1x128x128xf32, #tpu.memory_space<vmem>> -> memref<128x128xf32, #tpu.memory_space<vmem>>
    %dma_wait3A_84 = arith.constant 256 : i32
    %dma_wait3A_85 = tpu.memref_slice %arg6[%dma_wait3A_84] : memref<512xi32, #tpu.memory_space<vmem>> -> memref<128xi32, #tpu.memory_space<vmem>>
    %dma_wait3A_86 = arith.constant 0 : i32
    %dma_wait3A_87 = arith.constant 0 : i32
    %dma_wait3A_88 = tpu.memref_slice %arg4[%dma_wait3A_86, %dma_wait3A_87] : memref<106496x128xf32, #tpu.memory_space<hbm>> -> memref<106496x128xf32, #tpu.memory_space<hbm>>
    %dma_wait3A_89 = tpu.memref_slice %arg10[%dma_wait3A_79] : memref<2x!tpu.dma_semaphore, #tpu.memory_space<semaphore_mem>> -> memref<1x!tpu.dma_semaphore, #tpu.memory_space<semaphore_mem>>
    %dma_wait3A_90 = tpu.memref_squeeze %dma_wait3A_89 : memref<1x!tpu.dma_semaphore, #tpu.memory_space<semaphore_mem>> -> memref<!tpu.dma_semaphore, #tpu.memory_space<semaphore_mem>>
    tpu.wait_indirect_dma semaphore(%dma_wait3A_90 : memref<!tpu.dma_semaphore, #tpu.memory_space<semaphore_mem>>) src(%dma_wait3A_88 : memref<106496x128xf32, #tpu.memory_space<hbm>>) dst(%dma_wait3A_83 : memref<128x128xf32, #tpu.memory_space<vmem>>)
    %dma_start3A_91 = arith.constant 1 : i32
    %dma_start3A_92 = arith.constant 1 : i32
    %dma_start3A_93 = arith.constant 0 : i32
    %dma_start3A_94 = arith.constant 0 : i32
    %dma_start3A_95 = tpu.memref_slice %arg8[%dma_start3A_91, %dma_start3A_93, %dma_start3A_94] : memref<2x128x128xf32, #tpu.memory_space<vmem>> -> memref<1x128x128xf32, #tpu.memory_space<vmem>>
    %dma_start3A_96 = tpu.memref_squeeze %dma_start3A_95 : memref<1x128x128xf32, #tpu.memory_space<vmem>> -> memref<128x128xf32, #tpu.memory_space<vmem>>
    %dma_start3A_97 = arith.constant 384 : i32
    %dma_start3A_98 = tpu.memref_slice %arg6[%dma_start3A_97] : memref<512xi32, #tpu.memory_space<vmem>> -> memref<128xi32, #tpu.memory_space<vmem>>
    %dma_start3A_99 = arith.constant 0 : i32
    %dma_start3A_100 = arith.constant 0 : i32
    %dma_start3A_101 = tpu.memref_slice %arg4[%dma_start3A_99, %dma_start3A_100] : memref<106496x128xf32, #tpu.memory_space<hbm>> -> memref<106496x128xf32, #tpu.memory_space<hbm>>
    %dma_start3A_102 = tpu.memref_slice %arg10[%dma_start3A_92] : memref<2x!tpu.dma_semaphore, #tpu.memory_space<semaphore_mem>> -> memref<1x!tpu.dma_semaphore, #tpu.memory_space<semaphore_mem>>
    %dma_start3A_103 = tpu.memref_squeeze %dma_start3A_102 : memref<1x!tpu.dma_semaphore, #tpu.memory_space<semaphore_mem>> -> memref<!tpu.dma_semaphore, #tpu.memory_space<semaphore_mem>>
    tpu.enqueue_indirect_dma source(%dma_start3A_101 : memref<106496x128xf32, #tpu.memory_space<hbm>>) target(%dma_start3A_96 : memref<128x128xf32, #tpu.memory_space<vmem>>) offsets(%dma_start3A_98 : memref<128xi32, #tpu.memory_space<vmem>>) semaphore(%dma_start3A_103 : memref<!tpu.dma_semaphore, #tpu.memory_space<semaphore_mem>>)
    %scan3A_104 = arith.constant 0 : i32
    %scan3A_105 = arith.constant 128 : i32
    %scan3A_106 = arith.addi %scan3A_104, %scan3A_105 : i32
    %scan3A_107 = arith.constant 1 : i32
    %scan3A_108:4 = scf.for %scan3A_133 = %scan3A_104 to %scan3A_106 step %scan3A_107 iter_args(%scan3A_134 = %scan3A_76#0, %scan3A_135 = %scan3A_76#1, %scan3A_136 = %scan3A_76#2, %scan3A_137 = %scan3A_76#3) -> (vector<16xf32>, vector<16xf32>, vector<16xf32>, vector<16xf32>)  : i32 {
      %add3A_138 = arith.constant 256 : i32
      %add3A_139 = arith.addi %add3A_138, %scan3A_133 : i32
      %broadcast_in_dim3A_140 = vector.broadcast %add3A_139 : i32 to vector<16xi32>
      %gather3A = tpu.vector_load_idx %arg7[%iota3A, %broadcast_in_dim3A_140] : memref<64x512xf32, #tpu.memory_space<vmem>>[vector<16xi32>, vector<16xi32>], vector<16xf32>,
      %get3A = arith.constant 0 : i32
      %get3A_141 = arith.index_cast %get3A : i32 to index
      %get3A_142 = arith.index_cast %scan3A_133 : i32 to index
      %get3A_143 = arith.constant 0 : index
      %get3A_144 = tpu.vector_load %arg8[%get3A_141, %get3A_142, %get3A_143] {strides = array<i32>} : memref<2x128x128xf32, #tpu.memory_space<vmem>>, vector<16xf32>,
      %get3A_145 = arith.constant 0 : i32
      %get3A_146 = arith.index_cast %get3A_145 : i32 to index
      %get3A_147 = arith.index_cast %scan3A_133 : i32 to index
      %get3A_148 = arith.constant 64 : index
      %get3A_149 = tpu.vector_load %arg8[%get3A_146, %get3A_147, %get3A_148] {strides = array<i32>} : memref<2x128x128xf32, #tpu.memory_space<vmem>>, vector<16xf32>,
      %sub3A = arith.subf %gather3A, %get3A_144 : vector<16xf32>
      %abs3A = math.absf %sub3A : vector<16xf32>
      %div3A = arith.divf %abs3A, %get3A_149 : vector<16xf32>
      %add3A_150 = arith.addf %scan3A_134, %div3A : vector<16xf32>
      %add3A_151 = arith.constant 16 : i32
      %add3A_152 = vector.broadcast %add3A_151 : i32 to vector<16xi32>
      %add3A_153 = arith.addi %iota3A, %add3A_152 : vector<16xi32>
      %gather3A_154 = tpu.vector_load_idx %arg7[%add3A_153, %broadcast_in_dim3A_140] : memref<64x512xf32, #tpu.memory_space<vmem>>[vector<16xi32>, vector<16xi32>], vector<16xf32>,
      %get3A_155 = arith.constant 0 : i32
      %get3A_156 = arith.index_cast %get3A_155 : i32 to index
      %get3A_157 = arith.index_cast %scan3A_133 : i32 to index
      %get3A_158 = arith.constant 16 : index
      %get3A_159 = tpu.vector_load %arg8[%get3A_156, %get3A_157, %get3A_158] {strides = array<i32>} : memref<2x128x128xf32, #tpu.memory_space<vmem>>, vector<16xf32>,
      %get3A_160 = arith.constant 0 : i32
      %get3A_161 = arith.index_cast %get3A_160 : i32 to index
      %get3A_162 = arith.index_cast %scan3A_133 : i32 to index
      %get3A_163 = arith.constant 80 : index
      %get3A_164 = tpu.vector_load %arg8[%get3A_161, %get3A_162, %get3A_163] {strides = array<i32>} : memref<2x128x128xf32, #tpu.memory_space<vmem>>, vector<16xf32>,
      %sub3A_165 = arith.subf %gather3A_154, %get3A_159 : vector<16xf32>
      %abs3A_166 = math.absf %sub3A_165 : vector<16xf32>
      %div3A_167 = arith.divf %abs3A_166, %get3A_164 : vector<16xf32>
      %add3A_168 = arith.addf %scan3A_135, %div3A_167 : vector<16xf32>
      %add3A_169 = arith.constant 32 : i32
      %add3A_170 = vector.broadcast %add3A_169 : i32 to vector<16xi32>
      %add3A_171 = arith.addi %iota3A, %add3A_170 : vector<16xi32>
      %gather3A_172 = tpu.vector_load_idx %arg7[%add3A_171, %broadcast_in_dim3A_140] : memref<64x512xf32, #tpu.memory_space<vmem>>[vector<16xi32>, vector<16xi32>], vector<16xf32>,
      %get3A_173 = arith.constant 0 : i32
      %get3A_174 = arith.index_cast %get3A_173 : i32 to index
      %get3A_175 = arith.index_cast %scan3A_133 : i32 to index
      %get3A_176 = arith.constant 32 : index
      %get3A_177 = tpu.vector_load %arg8[%get3A_174, %get3A_175, %get3A_176] {strides = array<i32>} : memref<2x128x128xf32, #tpu.memory_space<vmem>>, vector<16xf32>,
      %get3A_178 = arith.constant 0 : i32
      %get3A_179 = arith.index_cast %get3A_178 : i32 to index
      %get3A_180 = arith.index_cast %scan3A_133 : i32 to index
      %get3A_181 = arith.constant 96 : index
      %get3A_182 = tpu.vector_load %arg8[%get3A_179, %get3A_180, %get3A_181] {strides = array<i32>} : memref<2x128x128xf32, #tpu.memory_space<vmem>>, vector<16xf32>,
      %sub3A_183 = arith.subf %gather3A_172, %get3A_177 : vector<16xf32>
      %abs3A_184 = math.absf %sub3A_183 : vector<16xf32>
      %div3A_185 = arith.divf %abs3A_184, %get3A_182 : vector<16xf32>
      %add3A_186 = arith.addf %scan3A_136, %div3A_185 : vector<16xf32>
      %add3A_187 = arith.constant 48 : i32
      %add3A_188 = vector.broadcast %add3A_187 : i32 to vector<16xi32>
      %add3A_189 = arith.addi %iota3A, %add3A_188 : vector<16xi32>
      %gather3A_190 = tpu.vector_load_idx %arg7[%add3A_189, %broadcast_in_dim3A_140] : memref<64x512xf32, #tpu.memory_space<vmem>>[vector<16xi32>, vector<16xi32>], vector<16xf32>,
      %get3A_191 = arith.constant 0 : i32
      %get3A_192 = arith.index_cast %get3A_191 : i32 to index
      %get3A_193 = arith.index_cast %scan3A_133 : i32 to index
      %get3A_194 = arith.constant 48 : index
      %get3A_195 = tpu.vector_load %arg8[%get3A_192, %get3A_193, %get3A_194] {strides = array<i32>} : memref<2x128x128xf32, #tpu.memory_space<vmem>>, vector<16xf32>,
      %get3A_196 = arith.constant 0 : i32
      %get3A_197 = arith.index_cast %get3A_196 : i32 to index
      %get3A_198 = arith.index_cast %scan3A_133 : i32 to index
      %get3A_199 = arith.constant 112 : index
      %get3A_200 = tpu.vector_load %arg8[%get3A_197, %get3A_198, %get3A_199] {strides = array<i32>} : memref<2x128x128xf32, #tpu.memory_space<vmem>>, vector<16xf32>,
      %sub3A_201 = arith.subf %gather3A_190, %get3A_195 : vector<16xf32>
      %abs3A_202 = math.absf %sub3A_201 : vector<16xf32>
      %div3A_203 = arith.divf %abs3A_202, %get3A_200 : vector<16xf32>
      %add3A_204 = arith.addf %scan3A_137, %div3A_203 : vector<16xf32>
      scf.yield %add3A_150, %add3A_168, %add3A_186, %add3A_204 : vector<16xf32>, vector<16xf32>, vector<16xf32>, vector<16xf32>
    }
    %scan3A_109 = arith.constant 128 : i32
    %dma_wait3A_110 = arith.constant 1 : i32
    %dma_wait3A_111 = arith.constant 1 : i32
    %dma_wait3A_112 = arith.constant 0 : i32
    %dma_wait3A_113 = arith.constant 0 : i32
    %dma_wait3A_114 = tpu.memref_slice %arg8[%dma_wait3A_110, %dma_wait3A_112, %dma_wait3A_113] : memref<2x128x128xf32, #tpu.memory_space<vmem>> -> memref<1x128x128xf32, #tpu.memory_space<vmem>>
    %dma_wait3A_115 = tpu.memref_squeeze %dma_wait3A_114 : memref<1x128x128xf32, #tpu.memory_space<vmem>> -> memref<128x128xf32, #tpu.memory_space<vmem>>
    %dma_wait3A_116 = arith.constant 384 : i32
    %dma_wait3A_117 = tpu.memref_slice %arg6[%dma_wait3A_116] : memref<512xi32, #tpu.memory_space<vmem>> -> memref<128xi32, #tpu.memory_space<vmem>>
    %dma_wait3A_118 = arith.constant 0 : i32
    %dma_wait3A_119 = arith.constant 0 : i32
    %dma_wait3A_120 = tpu.memref_slice %arg4[%dma_wait3A_118, %dma_wait3A_119] : memref<106496x128xf32, #tpu.memory_space<hbm>> -> memref<106496x128xf32, #tpu.memory_space<hbm>>
    %dma_wait3A_121 = tpu.memref_slice %arg10[%dma_wait3A_111] : memref<2x!tpu.dma_semaphore, #tpu.memory_space<semaphore_mem>> -> memref<1x!tpu.dma_semaphore, #tpu.memory_space<semaphore_mem>>
    %dma_wait3A_122 = tpu.memref_squeeze %dma_wait3A_121 : memref<1x!tpu.dma_semaphore, #tpu.memory_space<semaphore_mem>> -> memref<!tpu.dma_semaphore, #tpu.memory_space<semaphore_mem>>
    tpu.wait_indirect_dma semaphore(%dma_wait3A_122 : memref<!tpu.dma_semaphore, #tpu.memory_space<semaphore_mem>>) src(%dma_wait3A_120 : memref<106496x128xf32, #tpu.memory_space<hbm>>) dst(%dma_wait3A_115 : memref<128x128xf32, #tpu.memory_space<vmem>>)
    %scan3A_123 = arith.constant 0 : i32
    %scan3A_124 = arith.constant 128 : i32
    %scan3A_125 = arith.addi %scan3A_123, %scan3A_124 : i32
    %scan3A_126 = arith.constant 1 : i32
    %scan3A_127:4 = scf.for %scan3A_133 = %scan3A_123 to %scan3A_125 step %scan3A_126 iter_args(%scan3A_134 = %scan3A_108#0, %scan3A_135 = %scan3A_108#1, %scan3A_136 = %scan3A_108#2, %scan3A_137 = %scan3A_108#3) -> (vector<16xf32>, vector<16xf32>, vector<16xf32>, vector<16xf32>)  : i32 {
      %add3A_138 = arith.constant 384 : i32
      %add3A_139 = arith.addi %add3A_138, %scan3A_133 : i32
      %broadcast_in_dim3A_140 = vector.broadcast %add3A_139 : i32 to vector<16xi32>
      %gather3A = tpu.vector_load_idx %arg7[%iota3A, %broadcast_in_dim3A_140] : memref<64x512xf32, #tpu.memory_space<vmem>>[vector<16xi32>, vector<16xi32>], vector<16xf32>,
      %get3A = arith.constant 1 : i32
      %get3A_141 = arith.index_cast %get3A : i32 to index
      %get3A_142 = arith.index_cast %scan3A_133 : i32 to index
      %get3A_143 = arith.constant 0 : index
      %get3A_144 = tpu.vector_load %arg8[%get3A_141, %get3A_142, %get3A_143] {strides = array<i32>} : memref<2x128x128xf32, #tpu.memory_space<vmem>>, vector<16xf32>,
      %get3A_145 = arith.constant 1 : i32
      %get3A_146 = arith.index_cast %get3A_145 : i32 to index
      %get3A_147 = arith.index_cast %scan3A_133 : i32 to index
      %get3A_148 = arith.constant 64 : index
      %get3A_149 = tpu.vector_load %arg8[%get3A_146, %get3A_147, %get3A_148] {strides = array<i32>} : memref<2x128x128xf32, #tpu.memory_space<vmem>>, vector<16xf32>,
      %sub3A = arith.subf %gather3A, %get3A_144 : vector<16xf32>
      %abs3A = math.absf %sub3A : vector<16xf32>
      %div3A = arith.divf %abs3A, %get3A_149 : vector<16xf32>
      %add3A_150 = arith.addf %scan3A_134, %div3A : vector<16xf32>
      %add3A_151 = arith.constant 16 : i32
      %add3A_152 = vector.broadcast %add3A_151 : i32 to vector<16xi32>
      %add3A_153 = arith.addi %iota3A, %add3A_152 : vector<16xi32>
      %gather3A_154 = tpu.vector_load_idx %arg7[%add3A_153, %broadcast_in_dim3A_140] : memref<64x512xf32, #tpu.memory_space<vmem>>[vector<16xi32>, vector<16xi32>], vector<16xf32>,
      %get3A_155 = arith.constant 1 : i32
      %get3A_156 = arith.index_cast %get3A_155 : i32 to index
      %get3A_157 = arith.index_cast %scan3A_133 : i32 to index
      %get3A_158 = arith.constant 16 : index
      %get3A_159 = tpu.vector_load %arg8[%get3A_156, %get3A_157, %get3A_158] {strides = array<i32>} : memref<2x128x128xf32, #tpu.memory_space<vmem>>, vector<16xf32>,
      %get3A_160 = arith.constant 1 : i32
      %get3A_161 = arith.index_cast %get3A_160 : i32 to index
      %get3A_162 = arith.index_cast %scan3A_133 : i32 to index
      %get3A_163 = arith.constant 80 : index
      %get3A_164 = tpu.vector_load %arg8[%get3A_161, %get3A_162, %get3A_163] {strides = array<i32>} : memref<2x128x128xf32, #tpu.memory_space<vmem>>, vector<16xf32>,
      %sub3A_165 = arith.subf %gather3A_154, %get3A_159 : vector<16xf32>
      %abs3A_166 = math.absf %sub3A_165 : vector<16xf32>
      %div3A_167 = arith.divf %abs3A_166, %get3A_164 : vector<16xf32>
      %add3A_168 = arith.addf %scan3A_135, %div3A_167 : vector<16xf32>
      %add3A_169 = arith.constant 32 : i32
      %add3A_170 = vector.broadcast %add3A_169 : i32 to vector<16xi32>
      %add3A_171 = arith.addi %iota3A, %add3A_170 : vector<16xi32>
      %gather3A_172 = tpu.vector_load_idx %arg7[%add3A_171, %broadcast_in_dim3A_140] : memref<64x512xf32, #tpu.memory_space<vmem>>[vector<16xi32>, vector<16xi32>], vector<16xf32>,
      %get3A_173 = arith.constant 1 : i32
      %get3A_174 = arith.index_cast %get3A_173 : i32 to index
      %get3A_175 = arith.index_cast %scan3A_133 : i32 to index
      %get3A_176 = arith.constant 32 : index
      %get3A_177 = tpu.vector_load %arg8[%get3A_174, %get3A_175, %get3A_176] {strides = array<i32>} : memref<2x128x128xf32, #tpu.memory_space<vmem>>, vector<16xf32>,
      %get3A_178 = arith.constant 1 : i32
      %get3A_179 = arith.index_cast %get3A_178 : i32 to index
      %get3A_180 = arith.index_cast %scan3A_133 : i32 to index
      %get3A_181 = arith.constant 96 : index
      %get3A_182 = tpu.vector_load %arg8[%get3A_179, %get3A_180, %get3A_181] {strides = array<i32>} : memref<2x128x128xf32, #tpu.memory_space<vmem>>, vector<16xf32>,
      %sub3A_183 = arith.subf %gather3A_172, %get3A_177 : vector<16xf32>
      %abs3A_184 = math.absf %sub3A_183 : vector<16xf32>
      %div3A_185 = arith.divf %abs3A_184, %get3A_182 : vector<16xf32>
      %add3A_186 = arith.addf %scan3A_136, %div3A_185 : vector<16xf32>
      %add3A_187 = arith.constant 48 : i32
      %add3A_188 = vector.broadcast %add3A_187 : i32 to vector<16xi32>
      %add3A_189 = arith.addi %iota3A, %add3A_188 : vector<16xi32>
      %gather3A_190 = tpu.vector_load_idx %arg7[%add3A_189, %broadcast_in_dim3A_140] : memref<64x512xf32, #tpu.memory_space<vmem>>[vector<16xi32>, vector<16xi32>], vector<16xf32>,
      %get3A_191 = arith.constant 1 : i32
      %get3A_192 = arith.index_cast %get3A_191 : i32 to index
      %get3A_193 = arith.index_cast %scan3A_133 : i32 to index
      %get3A_194 = arith.constant 48 : index
      %get3A_195 = tpu.vector_load %arg8[%get3A_192, %get3A_193, %get3A_194] {strides = array<i32>} : memref<2x128x128xf32, #tpu.memory_space<vmem>>, vector<16xf32>,
      %get3A_196 = arith.constant 1 : i32
      %get3A_197 = arith.index_cast %get3A_196 : i32 to index
      %get3A_198 = arith.index_cast %scan3A_133 : i32 to index
      %get3A_199 = arith.constant 112 : index
      %get3A_200 = tpu.vector_load %arg8[%get3A_197, %get3A_198, %get3A_199] {strides = array<i32>} : memref<2x128x128xf32, #tpu.memory_space<vmem>>, vector<16xf32>,
      %sub3A_201 = arith.subf %gather3A_190, %get3A_195 : vector<16xf32>
      %abs3A_202 = math.absf %sub3A_201 : vector<16xf32>
      %div3A_203 = arith.divf %abs3A_202, %get3A_200 : vector<16xf32>
      %add3A_204 = arith.addf %scan3A_137, %div3A_203 : vector<16xf32>
      scf.yield %add3A_150, %add3A_168, %add3A_186, %add3A_204 : vector<16xf32>, vector<16xf32>, vector<16xf32>, vector<16xf32>
    }
    %scan3A_128 = arith.constant 128 : i32
    %add3A_129 = arith.addf %scan3A_127#0, %scan3A_127#1 : vector<16xf32>
    %add3A_130 = arith.addf %scan3A_127#2, %scan3A_127#3 : vector<16xf32>
    %add3A_131 = arith.addf %add3A_129, %add3A_130 : vector<16xf32>
    %swap3A = arith.constant 0 : index
    %swap3A_132 = tpu.vector_load %arg9[%swap3A] {strides = array<i32>} : memref<16xf32, #tpu.memory_space<vmem>>, vector<16xf32>,
    tpu.vector_store %arg9[%swap3A], %add3A_131 {strides = array<i32>} : memref<16xf32, #tpu.memory_space<vmem>>, vector<16xf32>,
    "tpu.region"() ({
      %run_scoped3A = tpu.sem_alloc : memref<!tpu.dma_semaphore, #tpu.memory_space<semaphore_mem>>
      %dma_start3A_133 = arith.constant 0 : i32
      %dma_start3A_134 = tpu.memref_slice %arg5[%add3A, %dma_start3A_133] : memref<32x16xf32, #tpu.memory_space<hbm>> -> memref<1x16xf32, #tpu.memory_space<hbm>>
      %dma_start3A_135 = tpu.memref_squeeze %dma_start3A_134 : memref<1x16xf32, #tpu.memory_space<hbm>> -> memref<16xf32, #tpu.memory_space<hbm>>
      %dma_start3A_136 = arith.constant 0 : i32
      %dma_start3A_137 = tpu.memref_slice %arg5[%add3A, %dma_start3A_136] : memref<32x16xf32, #tpu.memory_space<hbm>> -> memref<1x16xf32, #tpu.memory_space<hbm>>
      %dma_start3A_138 = tpu.memref_squeeze %dma_start3A_137 : memref<1x16xf32, #tpu.memory_space<hbm>> -> memref<16xf32, #tpu.memory_space<hbm>>
      tpu.enqueue_dma source(%arg9 : memref<16xf32, #tpu.memory_space<vmem>>) target(%dma_start3A_138 : memref<16xf32, #tpu.memory_space<hbm>>) target_semaphore(%run_scoped3A : memref<!tpu.dma_semaphore, #tpu.memory_space<semaphore_mem>>)
      %dma_wait3A_139 = arith.constant 0 : i32
      %dma_wait3A_140 = tpu.memref_slice %arg5[%add3A, %dma_wait3A_139] : memref<32x16xf32, #tpu.memory_space<hbm>> -> memref<1x16xf32, #tpu.memory_space<hbm>>
      %dma_wait3A_141 = tpu.memref_squeeze %dma_wait3A_140 : memref<1x16xf32, #tpu.memory_space<hbm>> -> memref<16xf32, #tpu.memory_space<hbm>>
      %dma_wait3A_142 = arith.constant 0 : i32
      %dma_wait3A_143 = tpu.memref_slice %arg5[%add3A, %dma_wait3A_142] : memref<32x16xf32, #tpu.memory_space<hbm>> -> memref<1x16xf32, #tpu.memory_space<hbm>>
      %dma_wait3A_144 = tpu.memref_squeeze %dma_wait3A_143 : memref<1x16xf32, #tpu.memory_space<hbm>> -> memref<16xf32, #tpu.memory_space<hbm>>
      tpu.wait_dma2 semaphore(%run_scoped3A : memref<!tpu.dma_semaphore, #tpu.memory_space<semaphore_mem>>) src(%arg9 : memref<16xf32, #tpu.memory_space<vmem>>) dst(%dma_wait3A_144 : memref<16xf32, #tpu.memory_space<hbm>>)
      tpu.yield
    }) : () -> ()
    return
  }
}

module attributes {stable_mosaic.version = 14 : i64} {
  func.func @_pack_body(%arg0: i32, %arg1: memref<64x8192xf32, #tpu.memory_space<vmem>>, %arg2: memref<64x8192xf32, #tpu.memory_space<vmem>>, %arg3: memref<8192x128xf32, #tpu.memory_space<vmem>>) attributes {dimension_semantics = [#tpu.dimension_semantics<arbitrary>], iteration_bounds = array<i64: 13>, scalar_prefetch = 0 : i64, scratch_operands = 0 : i64, tpu.core_type = #tpu.core_type<tc>, window_params = [{transform_indices = @transform_0, window_bounds = array<i64: 64, 8192>}, {transform_indices = @transform_1, window_bounds = array<i64: 64, 8192>}, {transform_indices = @transform_2, window_bounds = array<i64: 8192, 128>}]} {
    %iota3A = tpu.iota {dimensions = array<i32: 0>} : vector<64x64xi32>
    %iota3A_0 = tpu.iota {dimensions = array<i32: 1>} : vector<64x64xi32>
    %eq3A = arith.cmpi eq, %iota3A, %iota3A_0 : vector<64x64xi32>
    %convert_element_type3A = arith.extui %eq3A : vector<64x64xi1> to vector<64x64xi32>
    %convert_element_type3A_1 = arith.sitofp %convert_element_type3A : vector<64x64xi32> to vector<64x64xf32>
    %get3A = arith.constant 0 : index
    %get3A_2 = arith.constant 0 : index
    %get3A_3 = vector.load %arg1[%get3A, %get3A_2] : memref<64x8192xf32, #tpu.memory_space<vmem>>, vector<64x8192xf32>
    %transpose3A = tpu.transpose %get3A_3, [1, 0] : vector<64x8192xf32> -> vector<8192x64xf32>
    %swap3A = arith.constant 0 : index
    %swap3A_4 = arith.constant 0 : index
    %swap3A_5 = vector.load %arg3[%swap3A, %swap3A_4] : memref<8192x128xf32, #tpu.memory_space<vmem>>, vector<8192x64xf32>
    tpu.vector_store %arg3[%swap3A, %swap3A_4], %transpose3A {strides = array<i32>} : memref<8192x128xf32, #tpu.memory_space<vmem>>, vector<8192x64xf32>,
    %get3A_6 = arith.constant 0 : index
    %get3A_7 = arith.constant 0 : index
    %get3A_8 = vector.load %arg2[%get3A_6, %get3A_7] : memref<64x8192xf32, #tpu.memory_space<vmem>>, vector<64x8192xf32>
    %dot_general3A = arith.constant dense<0.000000e+00> : vector<8192x64xf32>
    %dot_general3A_9 = tpu.matmul %get3A_8, %convert_element_type3A_1, %dot_general3A {dimension_numbers = #tpu.dot_dimension_numbers<[0], [0], [1], [1], [0, 1, 1, 1], [], []>, transpose_lhs_hint = false} : vector<64x8192xf32>, vector<64x64xf32>, vector<8192x64xf32> -> vector<8192x64xf32>
    %swap3A_10 = arith.constant 0 : index
    %swap3A_11 = arith.constant 64 : index
    %swap3A_12 = vector.load %arg3[%swap3A_10, %swap3A_11] : memref<8192x128xf32, #tpu.memory_space<vmem>>, vector<8192x64xf32>
    tpu.vector_store %arg3[%swap3A_10, %swap3A_11], %dot_general3A_9 {strides = array<i32>} : memref<8192x128xf32, #tpu.memory_space<vmem>>, vector<8192x64xf32>,
    return
  }
  func.func @transform_0(%arg0: i32) -> (i32, i32) {
    %c0_i32 = arith.constant 0 : i32
    %c0_i32_0 = arith.constant 0 : i32
    return %c0_i32, %arg0 : i32, i32
  }
  func.func @transform_1(%arg0: i32) -> (i32, i32) {
    %c0_i32 = arith.constant 0 : i32
    %c0_i32_0 = arith.constant 0 : i32
    return %c0_i32, %arg0 : i32, i32
  }
  func.func @transform_2(%arg0: i32) -> (i32, i32) {
    %c0_i32 = arith.constant 0 : i32
    %c0_i32_0 = arith.constant 0 : i32
    return %arg0, %c0_i32 : i32, i32
  }
}

</mosaic_0001>

<sc_bundles>
// kernel: _sc_loss.4.cloned.1.call-start
scs
__scs_entry_jumppad:
0x0: {  	(pc) =	sbr.rel $0x88, $3  }
0x1: {  	(tag) =	ssettag $0x0;
	lr =	simm.s32 $0x1  }
0x2: {  	[smem:$0x3F9D] =	sst lr;
	_ =	strace $0xD0000000  }
0x3: {  	_ = 	snop  }
0x4: {  	_ = 	snop  }
0x5: {  	_ = 	snop  }
0x6: {  	_ = 	snop  }
0x7: {  	_ = 	snop  }
__scs_overlays_trampoline_lowered:
0x8: {  	[smem:$0x3FAC] =	sst s0  }
0x9: {  	[smem:$0x3FAD] =	sst s1  }
0xa: {  	[smem:$0x3FAE] =	sst s2  }
0xb: {  	[smem:$0x3FAF] =	sst s3  }
0xc: {  	[smem:$0x3FB0] =	sst s4  }
0xd: {  	[smem:$0x3FB1] =	sst s5  }
0xe: {  	[smem:$0x3FB2] =	sst s6  }
0xf: {  	[smem:$0x3FB3] =	sst s7  }
0x10: {  	[smem:$0x3FB4] =	sst s8  }
0x11: {  	[smem:$0x3FB5] =	sst s9;
	s0 =	simm.s32 @!p0 $0x0  }
0x12: {  	s1 =	sld [smem:$0x3F9B];
	s0 =	simm.s32 @p0 $0x1  }
0x13: {  	[smem:$0x3FB6] =	sst s0;
	s0 =	simm.s32 @!p1 $0x0  }
0x14: {  	s2 =	sld [smem:$0x3F9A];
	s0 =	simm.s32 @p1 $0x1  }
0x15: {  	[smem:$0x3FB7] =	sst s0;
	s0 =	simm.s32 @!p2 $0x0  }
0x16: {  	s3 =	sld [smem:$0x3FDB];
	s0 =	simm.s32 @p2 $0x1  }
0x17: {  	s4 =	simm.s32 $0x1BF5;
	[smem:$0x3FB9] =	sst s0  }
0x18: {  	s0 =	sld [smem:$0x3F9C];
	_ =	swait.ge [sflag:s4], $0x0  }
0x19: {  	s7 =	sld [smem:$0x3F9D]  }
0x1a: {  	s8 =	sadd.s32 $0xFFFFE003, lr  }
0x1b: {  	s9 =	sadd.s32 $0xFFFFFEF7, lr;
	s5 =	simm.s32 $0xFFFFFFFF;
	p2 =	slt.u32 s8, $0xFFFFF086  }
0x1c: {  	p1 =	slt.u32 s9, $0xF7A;
	s5 =	simm.s32 @!p2 $0x0  }
0x1d: {  	s5 =	simm.s32 @p1 $0x1;
	p0 =	seq.s32 s7, s2  }
0x1e: {  	s7 =	smul.u32 @!p0 $0xF7A, s2;
	p2 =	seq.s32 @!p0 s5, $0x0  }
0x1f: {  	s9 =	smul.u32 $0xF7A, s1;
	s8 =	simm.s32 @!p0 $0x1BF5;
	p2 =	por !p2, p0  }
0x20: {  	[sflag:s8] =	ssyncset.s32 @!p0 $0xFFFFF086;
	s6 =	sadd.s32 @!p0 s3, s7;
	s7 =	simm.s32 @!p0 $0x108  }
0x21: {  	s3 =	sadd.s32 s3, s9;
	s6 =	sadd.s32 @!p0 $0x88, s6;
	s7 =	simm.s32 @p2 $0x1082  }
0x22: {  	[simem:s7], [sflag:s8] =	dma.local @!p0 [hbm:s6], $0xF7A  }
0x23: {  	s9 =	sor.u32 $0xD0000000, s2;
	s6 =	simm.s32 $0x108;
	_ =	swait.ge @!p0 [sflag:s8], $0x0  }
0x24: {  	s3 =	sadd.s32 $0x88, s3;
	s6 =	simm.s32 @!p1 $0x1082;
	[sflag:s4] =	ssyncset.s32 $0xFFFFF086  }
0x25: {  	[simem:s6], [sflag:s4] =	dma.local [hbm:s3], $0xF7A  }
0x26: {  	[smem:$0x3F9D] =	sst s1;
	(tag) =	ssettag s2;
	_ =	strace s9  }
0x27: {  	s1 =	sld [smem:$0x3FAD]  }
0x28: {  	s2 =	sld [smem:$0x3FAE]  }
0x29: {  	s4 =	sld [smem:$0x3FB0]  }
0x2a: {  	p0 =	seq.s32 s5, $0x0;
	s5 =	sld [smem:$0x3FB1]  }
0x2b: {  	s6 =	sld [smem:$0x3FB2]  }
0x2c: {  	s7 =	sld [smem:$0x3FB3]  }
0x2d: {  	s3 =	simm.s32 $0x108;
	s8 =	sld [smem:$0x3FB4]  }
0x2e: {  	s3 =	simm.s32 @!p0 $0x1082;
	s9 =	sld [smem:$0x3FB5]  }
0x2f: {  	lr =	sadd.s32 s0, s3;
	s0 =	sld [smem:$0x3FAC]  }
0x30: {  	s3 =	sld [smem:$0x3FAF]  }
0x31: {  	[smem:$0x3FB8] =	sst s10  }
0x32: {  	s10 =	sld [smem:$0x3FB6];
	_ =	sdelay $0x3  }
0x33: {  	p0 =	seq.s32 s10, $0x1;
	s10 =	sld [smem:$0x3FB8];
	_ =	sdelay $0x3  }
0x34: {  	[smem:$0x3FB8] =	sst s10  }
0x35: {  	s10 =	sld [smem:$0x3FB7];
	_ =	sdelay $0x3  }
0x36: {  	p1 =	seq.s32 s10, $0x1;
	s10 =	sld [smem:$0x3FB8];
	_ =	sdelay $0x3  }
0x37: {  	[smem:$0x3FB8] =	sst s10  }
0x38: {  	s10 =	sld [smem:$0x3FB9]  }
0x39: {  	_ = 	snop;
	(pc) =	sbr.ind lr, $3  }
0x3a: {  	_ = 	snop  }
0x3b: {  	_ = 	snop  }
0x3c: {  	p2 =	seq.s32 s10, $0x1;
	s10 =	sld [smem:$0x3FB8]  }
0x3d: {  	_ =	shalt  }
0x3e: {  	_ =	shalt  }
0x3f: {  	_ =	shalt  }
0x40: {  	_ =	shalt  }
0x41: {  	_ =	shalt  }
0x42: {  	_ =	shalt  }
0x43: {  	_ =	shalt  }
0x44: {  	_ =	shalt  }
0x45: {  	_ =	shalt  }
0x46: {  	_ =	shalt  }
0x47: {  	_ =	shalt  }
0x48: {  	_ =	shalt  }
0x49: {  	_ =	shalt  }
0x4a: {  	_ =	shalt  }
0x4b: {  	_ =	shalt  }
0x4c: {  	_ =	shalt  }
0x4d: {  	_ =	shalt  }
0x4e: {  	_ =	shalt  }
0x4f: {  	_ =	shalt  }
0x50: {  	_ =	shalt  }
0x51: {  	_ =	shalt  }
0x52: {  	_ =	shalt  }
0x53: {  	_ =	shalt  }
0x54: {  	_ =	shalt  }
0x55: {  	_ =	shalt  }
0x56: {  	_ =	shalt  }
0x57: {  	_ =	shalt  }
0x58: {  	_ =	shalt  }
0x59: {  	_ =	shalt  }
0x5a: {  	_ =	shalt  }
0x5b: {  	_ =	shalt  }
0x5c: {  	_ =	shalt  }
0x5d: {  	_ =	shalt  }
0x5e: {  	_ =	shalt  }
0x5f: {  	_ =	shalt  }
0x60: {  	_ =	shalt  }
0x61: {  	_ =	shalt  }
0x62: {  	_ =	shalt  }
0x63: {  	_ =	shalt  }
0x64: {  	_ =	shalt  }
0x65: {  	_ =	shalt  }
0x66: {  	_ =	shalt  }
0x67: {  	_ =	shalt  }
0x68: {  	_ =	shalt  }
0x69: {  	_ =	shalt  }
0x6a: {  	_ =	shalt  }
0x6b: {  	_ =	shalt  }
0x6c: {  	_ =	shalt  }
0x6d: {  	_ =	shalt  }
0x6e: {  	_ =	shalt  }
0x6f: {  	_ =	shalt  }
0x70: {  	_ =	shalt  }
0x71: {  	_ =	shalt  }
0x72: {  	_ =	shalt  }
0x73: {  	_ =	shalt  }
0x74: {  	_ =	shalt  }
0x75: {  	_ =	shalt  }
0x76: {  	_ =	shalt  }
0x77: {  	_ =	shalt  }
0x78: {  	_ =	shalt  }
0x79: {  	_ =	shalt  }
0x7a: {  	_ =	shalt  }
0x7b: {  	_ =	shalt  }
0x7c: {  	_ =	shalt  }
0x7d: {  	_ =	shalt  }
0x7e: {  	_ =	shalt  }
0x7f: {  	_ =	shalt  }
0x80: {  	_ =	shalt  }
0x81: {  	_ =	shalt  }
0x82: {  	_ =	shalt  }
0x83: {  	_ =	shalt  }
0x84: {  	_ =	shalt  }
0x85: {  	_ =	shalt  }
0x86: {  	_ =	shalt  }
0x87: {  	_ =	shalt  }
.Lfunc_end0:
.L_simem_size_0:
called_computation_lowered:
.L_overlay_start_0:
0x88: {  	s2 =	sld [smem:$0x3FD9]  }
0x89: {  	s3 =	sld [smem:$0x3FFE];
	_ =	sdelay $0x1  }
0x8a: {  	s1 =	srdreg.scid  }
0x8b: {  	s0 =	sand.u32 $0x1, s1  }
0x8c: {  	s17 =	sshll.u32 s0, $0xA;
	s2 =	sadd.s32 s3, s2  }
0x8d: {  	s2 =	sadd.s32 s2, s17  }
0x8e: {  	[smem:$0x3FC4] =	sst s2  }
0x8f: {  	_ = 	snop  }
0x90: {  	s2 =	sld [smem:$0x3FC9]  }
0x91: {  	s18 =	sld [smem:$0x3FC8];
	(tm) =	ssettm $0x1  }
0x92: {  	s4 =	sld [smem:$0x3FFB];
	_ =	sdelay $0x3  }
0x93: {  	_ =	strace s4  }
0x94: {  	s4 =	sld [smem:$0x3FFC];
	_ =	sdelay $0x3  }
0x95: {  	_ =	strace s4  }
0x96: {  	s4 =	sld [smem:$0x3FFD];
	_ =	sdelay $0x3  }
0x97: {  	_ =	strace s4  }
0x98: {  	_ =	strace $0x8FFFFFFF  }
0x99: {  	s19 =	sld [smem:$0x3FDB];
	_ =	sdelay $0x1  }
0x9a: {  	s5 =	simm.s32 $_scs_section_size  }
0x9b: {  	s6 =	simm.s32 $_size__tile_overlayer_lowered;
	s7 =	simm.s32 $_tile_overlayer_lowered  }
0x9c: {  	s22 =	simm.s32 $0x1BFF;
	s21 =	sshll.u32 s7, $0x1;
	s4 =	sadd.s32 s5, s19  }
0x9d: {  	s8 =	simm.s32 $0x0;
	s20 =	sshll.u32 s6, $0x1;
	s6 =	sadd.s32 s21, s4  }
0x9e: {  	[timem:s8], [sflag:s22] =	dma.local [hbm:s6], s20  }
0x9f: {  	_ =	swait.ge [sflag:s22], s20  }
0xa0: {  	s5 =	ssub.s32 $0x0, s20;
	[sflag:s22] =	ssyncset.done $0x0  }
0xa1: {  	[sflag:s22] =	ssyncadd.s32 s5;
	_ =	sdelay $0x1  }
0xa2: {  	s23 =	simm.s32 $0x1B8B  }
0xa3: {  	_ =	swait.ge [sflag:s23], $0x1  }
0xa4: {  	[sflag:s23] =	ssyncset.done $0x0  }
0xa5: {  	s25 =	simm.s32 $0x1B8E;
	s24 =	sld [smem:$0x3FFE];
	[sflag:s23] =	ssyncadd.s32 $0xFFFFFFFF  }
0xa6: {  	s26 =	simm.s32 $execute0_lowered;
	[smem:$0x3FD2] =	sst s25  }
0xa7: {  	s6 =	sshll.u32 s26, $0x1;
	_ =	strace $0x80000046;
	[dreg:$0x1] =	wrdreg $0xFFFFFFFF  }
0xa8: {  	s28 =	simm.s32 $_size_execute0_lowered;
	s4 =	sadd.s32 s4, s6;
	[dreg:$0x0] =	wrdreg $0x0  }
0xa9: {  	s6 =	sshll.u32 s28, $0x1;
	[dreg:$0x2] =	wrdreg s4  }
0xaa: {  	[dreg:$0x3] =	wrdreg s6  }
0xab: {  	[dreg:$0x4] =	wrdreg $0xC0  }
0xac: {  	_ =	task [dreg:s8], $0x5FFFF  }
0xad: {  	[dreg:$0x1] =	wrdreg $0xFFFFFFFF  }
0xae: {  	[dreg:$0x0] =	wrdreg $0x60  }
0xaf: {  	[dreg:$0x2] =	wrdreg s2  }
0xb0: {  	[dreg:$0x3] =	wrdreg s18  }
0xb1: {  	[dreg:$0x4] =	wrdreg s24  }
0xb2: {  	[dreg:$0x5] =	wrdreg $0x9  }
0xb3: {  	_ =	task.clear_ibuf [dreg:s8], $0x6FFFF;
	_ =	strace $0x90000046  }
0xb4: {  	s29 =	simm.s32 $0x9;
	_ =	strace $0x80000048  }
0xb5: {  	_ =	swait.ge [sflag:s29], $0x1  }
0xb6: {  	[sflag:s29] =	ssyncadd.s32 $0xFFFFFFFF  }
0xb7: {  	_ =	strace $0x90000048  }
0xb8: {  	_ =	sfence  }
0xb9: {  	s30 =	sld [smem:$0x0];
	_ =	sdelay $0x2  }
0xba: {  	s31 =	sshll.u32 s1, $0xD;
	s1 =	sshrl.u32 s1, $0x2  }
0xbb: {  	s3 =	sand.u32 $0x4000, s31;
	s1 =	sadd.s32 s1, s30  }
0xbc: {  	s0 =	sor.u32 s3, s0;
	s1 =	sshll.u32 s1, $0x11  }
0xbd: {  	s0 =	sor.u32 s1, s0  }
0xbe: {  	s0 =	sadd.s32 $0x8F2B, s0  }
0xbf: {  	[sflag:s0] =	ssyncadd.remote.s32 $0x1  }
0xc0: {  	_ =	sfence.sel $0xFFFF  }
0xc1: {  	[dreg:$0x0] =	wrdreg $0xFFFFFFFF;
	(pc) =	sbr.abs _section_cstart, $3  }
0xc2: {  	[dreg:$0x1] =	wrdreg $0xFFFFFFFF  }
0xc3: {  	_ =	task.clear_ibuf [dreg:s8], $0x2FFFF;
	_ =	strace $0x9FFFFFFF  }
0xc4: {  	(tm) =	ssettm $0x7FFFFFFF  }
0xc5: {  	_ =	shalt  }
tec
execute0_lowered:
.L_overlay_start_1:
0x0: {  	(tag) =	ssettag $0x1  }
0x1: {  	v0 =	vimm.s32 $0x1380  }
0x2: {  	vm14 =	vcmask $0x300;
	vm13 =	vcmask $0x704;
	vm12 =	vcmask $0xB08  }
0x3: {  	vm11 =	vcmask $0xF0C;
	vm10 =	vcmask $0x1310;
	vm9 =	vcmask $0x1714  }
0x4: {  	vm8 =	vcmask $0x1B18;
	vm7 =	vcmask $0x1F1C;
	vm6 =	vcmask $0x2320  }
0x5: {  	vm5 =	vcmask $0x2724;
	vm4 =	vcmask $0x2B28;
	vm3 =	vcmask $0x2F2C  }
0x6: {  	vm2 =	vcmask $0x3330;
	vm1 =	vcmask $0x3734;
	vm0 =	vcmask $0x3B38  }
0x7: {  	v1 =	vimm.s32 $0x3380;
	v2 =	vimm.s32 $0x5380;
	v3 =	vimm.s32 $0x7380  }
0x8: {  	v4 =	vimm.s32 $0x1780;
	v5 =	vimm.s32 $0x3780;
	v6 =	vimm.s32 $0x5780  }
0x9: {  	v7 =	vimm.s32 $0x7780;
	v8 =	vimm.s32 $0x1B80;
	v9 =	vimm.s32 $0x3B80  }
0xa: {  	v10 =	vimm.s32 $0x5B80;
	v11 =	vimm.s32 $0x7B80;
	v12 =	vimm.s32 $0x1F80  }
0xb: {  	v13 =	vimm.s32 $0x3F80;
	v14 =	vimm.s32 $0x5F80;
	v15 =	vimm.s32 $0x7F80  }
0xc: {  	v0 =	vsel vm14, $0x0, v0;
	v1 =	vsel vm14, $0x2000, v1;
	v2 =	vsel vm14, $0x4000, v2  }
0xd: {  	v3 =	vsel vm14, $0x6000, v3;
	v4 =	vsel vm14, $0x400, v4;
	v5 =	vsel vm14, $0x2400, v5  }
0xe: {  	v6 =	vsel vm14, $0x4400, v6;
	v7 =	vsel vm14, $0x6400, v7;
	v8 =	vsel vm14, $0x800, v8  }
0xf: {  	v9 =	vsel vm14, $0x2800, v9;
	v10 =	vsel vm14, $0x4800, v10;
	v11 =	vsel vm14, $0x6800, v11  }
0x10: {  	v12 =	vsel vm14, $0xC00, v12;
	v13 =	vsel vm14, $0x2C00, v13;
	v14 =	vsel vm14, $0x4C00, v14  }
0x11: {  	v15 =	vsel vm14, $0x6C00, v15;
	v0 =	vsel vm13, $0x80, v0;
	v1 =	vsel vm13, $0x2080, v1  }
0x12: {  	v2 =	vsel vm13, $0x4080, v2;
	v3 =	vsel vm13, $0x6080, v3;
	v4 =	vsel vm13, $0x480, v4  }
0x13: {  	v5 =	vsel vm13, $0x2480, v5;
	v6 =	vsel vm13, $0x4480, v6;
	v7 =	vsel vm13, $0x6480, v7  }
0x14: {  	v8 =	vsel vm13, $0x880, v8;
	v9 =	vsel vm13, $0x2880, v9;
	v10 =	vsel vm13, $0x4880, v10  }
0x15: {  	v11 =	vsel vm13, $0x6880, v11;
	v12 =	vsel vm13, $0xC80, v12;
	v13 =	vsel vm13, $0x2C80, v13  }
0x16: {  	v14 =	vsel vm13, $0x4C80, v14;
	v15 =	vsel vm13, $0x6C80, v15;
	v0 =	vsel vm12, $0x100, v0  }
0x17: {  	v1 =	vsel vm12, $0x2100, v1;
	v2 =	vsel vm12, $0x4100, v2;
	v3 =	vsel vm12, $0x6100, v3  }
0x18: {  	v4 =	vsel vm12, $0x500, v4;
	v5 =	vsel vm12, $0x2500, v5;
	v6 =	vsel vm12, $0x4500, v6  }
0x19: {  	v7 =	vsel vm12, $0x6500, v7;
	v8 =	vsel vm12, $0x900, v8;
	v9 =	vsel vm12, $0x2900, v9  }
0x1a: {  	v10 =	vsel vm12, $0x4900, v10;
	v11 =	vsel vm12, $0x6900, v11;
	v12 =	vsel vm12, $0xD00, v12  }
0x1b: {  	v13 =	vsel vm12, $0x2D00, v13;
	v14 =	vsel vm12, $0x4D00, v14;
	v15 =	vsel vm12, $0x6D00, v15  }
0x1c: {  	v0 =	vsel vm11, $0x180, v0;
	v1 =	vsel vm11, $0x2180, v1;
	v2 =	vsel vm11, $0x4180, v2  }
0x1d: {  	v3 =	vsel vm11, $0x6180, v3;
	v4 =	vsel vm11, $0x580, v4;
	v5 =	vsel vm11, $0x2580, v5  }
0x1e: {  	v6 =	vsel vm11, $0x4580, v6;
	v7 =	vsel vm11, $0x6580, v7;
	v8 =	vsel vm11, $0x980, v8  }
0x1f: {  	v9 =	vsel vm11, $0x2980, v9;
	v10 =	vsel vm11, $0x4980, v10;
	v11 =	vsel vm11, $0x6980, v11  }
0x20: {  	v12 =	vsel vm11, $0xD80, v12;
	v13 =	vsel vm11, $0x2D80, v13;
	v14 =	vsel vm11, $0x4D80, v14  }
0x21: {  	v15 =	vsel vm11, $0x6D80, v15;
	v0 =	vsel vm10, $0x200, v0;
	v1 =	vsel vm10, $0x2200, v1  }
0x22: {  	v2 =	vsel vm10, $0x4200, v2;
	v3 =	vsel vm10, $0x6200, v3;
	v4 =	vsel vm10, $0x600, v4  }
0x23: {  	v5 =	vsel vm10, $0x2600, v5;
	v6 =	vsel vm10, $0x4600, v6;
	v7 =	vsel vm10, $0x6600, v7  }
0x24: {  	v8 =	vsel vm10, $0xA00, v8;
	v9 =	vsel vm10, $0x2A00, v9;
	v10 =	vsel vm10, $0x4A00, v10  }
0x25: {  	v11 =	vsel vm10, $0x6A00, v11;
	v12 =	vsel vm10, $0xE00, v12;
	v13 =	vsel vm10, $0x2E00, v13  }
0x26: {  	v14 =	vsel vm10, $0x4E00, v14;
	v15 =	vsel vm10, $0x6E00, v15;
	v0 =	vsel vm9, $0x280, v0  }
0x27: {  	v1 =	vsel vm9, $0x2280, v1;
	v2 =	vsel vm9, $0x4280, v2;
	v3 =	vsel vm9, $0x6280, v3  }
0x28: {  	v4 =	vsel vm9, $0x680, v4;
	v5 =	vsel vm9, $0x2680, v5;
	v6 =	vsel vm9, $0x4680, v6  }
0x29: {  	v7 =	vsel vm9, $0x6680, v7;
	v8 =	vsel vm9, $0xA80, v8;
	v9 =	vsel vm9, $0x2A80, v9  }
0x2a: {  	v10 =	vsel vm9, $0x4A80, v10;
	v11 =	vsel vm9, $0x6A80, v11;
	v12 =	vsel vm9, $0xE80, v12  }
0x2b: {  	v13 =	vsel vm9, $0x2E80, v13;
	v14 =	vsel vm9, $0x4E80, v14;
	v15 =	vsel vm9, $0x6E80, v15  }
0x2c: {  	v0 =	vsel vm8, $0x300, v0;
	v1 =	vsel vm8, $0x2300, v1;
	v2 =	vsel vm8, $0x4300, v2  }
0x2d: {  	v3 =	vsel vm8, $0x6300, v3;
	v4 =	vsel vm8, $0x700, v4;
	v5 =	vsel vm8, $0x2700, v5  }
0x2e: {  	v6 =	vsel vm8, $0x4700, v6;
	v7 =	vsel vm8, $0x6700, v7;
	v8 =	vsel vm8, $0xB00, v8  }
0x2f: {  	v9 =	vsel vm8, $0x2B00, v9;
	v10 =	vsel vm8, $0x4B00, v10;
	v11 =	vsel vm8, $0x6B00, v11  }
0x30: {  	v12 =	vsel vm8, $0xF00, v12;
	v13 =	vsel vm8, $0x2F00, v13;
	v14 =	vsel vm8, $0x4F00, v14  }
0x31: {  	v15 =	vsel vm8, $0x6F00, v15;
	v0 =	vsel vm7, $0x380, v0;
	v1 =	vsel vm7, $0x2380, v1  }
0x32: {  	v2 =	vsel vm7, $0x4380, v2;
	v3 =	vsel vm7, $0x6380, v3;
	v4 =	vsel vm7, $0x780, v4  }
0x33: {  	v5 =	vsel vm7, $0x2780, v5;
	v6 =	vsel vm7, $0x4780, v6;
	v7 =	vsel vm7, $0x6780, v7  }
0x34: {  	v8 =	vsel vm7, $0xB80, v8;
	v9 =	vsel vm7, $0x2B80, v9;
	v10 =	vsel vm7, $0x4B80, v10  }
0x35: {  	v11 =	vsel vm7, $0x6B80, v11;
	v12 =	vsel vm7, $0xF80, v12;
	v13 =	vsel vm7, $0x2F80, v13  }
0x36: {  	v14 =	vsel vm7, $0x4F80, v14;
	v15 =	vsel vm7, $0x6F80, v15;
	v0 =	vsel vm6, $0x1000, v0  }
0x37: {  	v1 =	vsel vm6, $0x3000, v1;
	v2 =	vsel vm6, $0x5000, v2;
	v3 =	vsel vm6, $0x7000, v3  }
0x38: {  	v4 =	vsel vm6, $0x1400, v4;
	v5 =	vsel vm6, $0x3400, v5;
	v6 =	vsel vm6, $0x5400, v6  }
0x39: {  	v7 =	vsel vm6, $0x7400, v7;
	v8 =	vsel vm6, $0x1800, v8;
	v9 =	vsel vm6, $0x3800, v9  }
0x3a: {  	v10 =	vsel vm6, $0x5800, v10;
	v11 =	vsel vm6, $0x7800, v11;
	v12 =	vsel vm6, $0x1C00, v12  }
0x3b: {  	v13 =	vsel vm6, $0x3C00, v13;
	v14 =	vsel vm6, $0x5C00, v14;
	v15 =	vsel vm6, $0x7C00, v15  }
0x3c: {  	v0 =	vsel vm5, $0x1080, v0;
	v1 =	vsel vm5, $0x3080, v1;
	v2 =	vsel vm5, $0x5080, v2  }
0x3d: {  	v3 =	vsel vm5, $0x7080, v3;
	v4 =	vsel vm5, $0x1480, v4;
	v5 =	vsel vm5, $0x3480, v5  }
0x3e: {  	v6 =	vsel vm5, $0x5480, v6;
	v7 =	vsel vm5, $0x7480, v7;
	v8 =	vsel vm5, $0x1880, v8  }
0x3f: {  	v9 =	vsel vm5, $0x3880, v9;
	v10 =	vsel vm5, $0x5880, v10;
	v11 =	vsel vm5, $0x7880, v11  }
0x40: {  	v12 =	vsel vm5, $0x1C80, v12;
	v13 =	vsel vm5, $0x3C80, v13;
	v14 =	vsel vm5, $0x5C80, v14  }
0x41: {  	v15 =	vsel vm5, $0x7C80, v15;
	v0 =	vsel vm4, $0x1100, v0;
	v1 =	vsel vm4, $0x3100, v1  }
0x42: {  	v2 =	vsel vm4, $0x5100, v2;
	v3 =	vsel vm4, $0x7100, v3;
	v4 =	vsel vm4, $0x1500, v4  }
0x43: {  	v5 =	vsel vm4, $0x3500, v5;
	v6 =	vsel vm4, $0x5500, v6;
	v7 =	vsel vm4, $0x7500, v7  }
0x44: {  	v8 =	vsel vm4, $0x1900, v8;
	v9 =	vsel vm4, $0x3900, v9;
	v10 =	vsel vm4, $0x5900, v10  }
0x45: {  	v11 =	vsel vm4, $0x7900, v11;
	v12 =	vsel vm4, $0x1D00, v12;
	v13 =	vsel vm4, $0x3D00, v13  }
0x46: {  	v14 =	vsel vm4, $0x5D00, v14;
	v15 =	vsel vm4, $0x7D00, v15;
	v0 =	vsel vm3, $0x1180, v0  }
0x47: {  	v1 =	vsel vm3, $0x3180, v1;
	v2 =	vsel vm3, $0x5180, v2;
	v3 =	vsel vm3, $0x7180, v3  }
0x48: {  	v4 =	vsel vm3, $0x1580, v4;
	v5 =	vsel vm3, $0x3580, v5;
	v6 =	vsel vm3, $0x5580, v6  }
0x49: {  	v7 =	vsel vm3, $0x7580, v7;
	v8 =	vsel vm3, $0x1980, v8;
	v9 =	vsel vm3, $0x3980, v9  }
0x4a: {  	v10 =	vsel vm3, $0x5980, v10;
	v11 =	vsel vm3, $0x7980, v11;
	v12 =	vsel vm3, $0x1D80, v12  }
0x4b: {  	v13 =	vsel vm3, $0x3D80, v13;
	v14 =	vsel vm3, $0x5D80, v14;
	v15 =	vsel vm3, $0x7D80, v15  }
0x4c: {  	v0 =	vsel vm2, $0x1200, v0;
	v1 =	vsel vm2, $0x3200, v1;
	v2 =	vsel vm2, $0x5200, v2  }
0x4d: {  	v3 =	vsel vm2, $0x7200, v3;
	v4 =	vsel vm2, $0x1600, v4;
	v5 =	vsel vm2, $0x3600, v5  }
0x4e: {  	v6 =	vsel vm2, $0x5600, v6;
	v7 =	vsel vm2, $0x7600, v7;
	v8 =	vsel vm2, $0x1A00, v8  }
0x4f: {  	s5 =	rddreg [dreg:$0x0];
	v9 =	vsel vm2, $0x3A00, v9;
	v10 =	vsel vm2, $0x5A00, v10;
	v11 =	vsel vm2, $0x7A00, v11  }
0x50: {  	s4 =	rddreg [dreg:$0x1];
	s1 =	srdreg.scid;
	v12 =	vsel vm2, $0x1E00, v12;
	v13 =	vsel vm2, $0x3E00, v13;
	v14 =	vsel vm2, $0x5E00, v14  }
0x51: {  	s0 =	stileid.u32;
	s2 =	rddreg [dreg:$0x2];
	s3 =	simm.s32 $0x0;
	v15 =	vsel vm2, $0x7E00, v15;
	v0 =	vsel vm1, $0x1280, v0;
	v1 =	vsel vm1, $0x3280, v1  }
0x52: {  	s11 =	simm.s32 $0x200;
	s12 =	simm.s32 $0x80;
	s13 =	simm.s32 $0x8200;
	v2 =	vsel vm1, $0x5280, v2;
	v3 =	vsel vm1, $0x7280, v3;
	v4 =	vsel vm1, $0x1680, v4  }
0x53: {  	s14 =	simm.s32 $0x1;
	s15 =	simm.s32 $0xC200;
	s16 =	simm.s32 $0x2;
	v5 =	vsel vm1, $0x3680, v5;
	v6 =	vsel vm1, $0x5680, v6;
	v7 =	vsel vm1, $0x7680, v7  }
0x54: {  	s17 =	simm.s32 $0x100;
	s18 =	simm.s32 $0x180;
	s19 =	simm.s32 $0x10200;
	v8 =	vsel vm1, $0x1A80, v8;
	v9 =	vsel vm1, $0x3A80, v9;
	v10 =	vsel vm1, $0x5A80, v10  }
0x55: {  	s6 =	sand.u32 $0x1, s1;
	s7 =	sshll.u32 s0, $0x1;
	s1 =	rddreg [dreg:$0x3];
	v11 =	vsel vm1, $0x7A80, v11;
	v12 =	vsel vm1, $0x1E80, v12;
	v13 =	vsel vm1, $0x3E80, v13  }
0x56: {  	s20 =	simm.s32 $0x0;
	[smem:$0x7FF] =	sst s3;
	s7 =	sor.u32 s6, s7;
	v14 =	vsel vm1, $0x5E80, v14;
	v15 =	vsel vm1, $0x7E80, v15;
	v0 =	vsel vm0, $0x1300, v0  }
0x57: {  	_ =	strace $0x80000047;
	s6 =	ssub.s32 $0x2, s6;
	s8 =	sshll.u32 s7, $0x4;
	v1 =	vsel vm0, $0x3300, v1;
	v2 =	vsel vm0, $0x5300, v2;
	v3 =	vsel vm0, $0x7300, v3  }
0x58: {  	s9 =	sshrl.u32 s6, $0x1;
	s10 =	sshll.u32 s7, $0x9;
	s7 =	sshll.u32 s7, $0x6;
	v4 =	vsel vm0, $0x1700, v4;
	v5 =	vsel vm0, $0x3700, v5;
	v6 =	vsel vm0, $0x5700, v6  }
0x59: {  	s8 =	sadd.s32 s8, s2;
	s9 =	ssub.s32 s6, s9;
	s4 =	sadd.s32 s4, s7;
	v7 =	vsel vm0, $0x7700, v7;
	v8 =	vsel vm0, $0x1B00, v8;
	v9 =	vsel vm0, $0x3B00, v9  }
0x5a: {  	s5 =	sadd.s32 s5, s10;
	s10 =	simm.s32 $0x20000;
	s6 =	sadd.s32 $0x1A0000, s8;
	v10 =	vsel vm0, $0x5B00, v10;
	v11 =	vsel vm0, $0x7B00, v11;
	v12 =	vsel vm0, $0x1F00, v12  }
0x5b: {  	s7 =	smax.u32 s9, $0x1;
	s8 =	simm.s32 $0x3;
	s9 =	simm.s32 $0x1000;
	v13 =	vsel vm0, $0x3F00, v13;
	v14 =	vsel vm0, $0x5F00, v14;
	v15 =	vsel vm0, $0x7F00, v15  }
.LBB2_1:
0x5c: {  	[tilespmem:s3], [sflag:$0x3] =	stream.linear.gather [hbm4b:s4+s3], $0x200, $0x38;
	[tilespmem:$0x10280] =	vst v63  }
0x5d: {  	_ =	swait.ge [sflag:s8], $0x200  }
0x5e: {  	[sflag:s8] =	ssyncset.done $0x0  }
0x5f: {  	[sflag:s8] =	ssyncadd.s32 $0xFFFFFE00  }
0x60: {  	[tilespmem:s11], [sflag:$0x3] =	stream.strided.gather [hbm4b:s5+s9], $0x8000, s10, s9, $0x38;
	[tilespmem:$0x10280] =	vst v63  }
0x61: {  	_ =	swait.ge [sflag:s8], $0x8000  }
0x62: {  	[sflag:s8] =	ssyncset.done $0x0  }
0x63: {  	[sflag:s8] =	ssyncadd.s32 $0xFFFF8000  }
0x64: {  	v16 =	vor.u32 s3, v0;
	[tilespmem:s13], [sflag:$0x1] =	stream.indirect.gather [hbm4b:s2+s12], $0x80, s3, s12, $0xb8;
	[tilespmem:$0x10280] =	vst v63  }
0x65: {  	v17 =	vor.u32 s3, v1;
	_ =	swait.ge [sflag:s14], $0x4000  }
0x66: {  	[sflag:s14] =	ssyncset.done $0x0  }
0x67: {  	[sflag:s14] =	ssyncadd.s32 $0xFFFFC000  }
0x68: {  	[tilespmem:s15], [sflag:$0x2] =	stream.indirect.gather [hbm4b:s2+s12], $0x80, s12, s12, $0xb8;
	[tilespmem:$0x10280] =	vst v63  }
0x69: {  	v18 =	vld.idx.msk [tilespmem:v16+s11+$0x0], $0xffff  }
0x6a: {  	s22 =	simm.s32 $0x8240;
	v17 =	vld.idx.msk [tilespmem:v17+s11+$0x0], $0xffff  }
0x6b: {  	v16 =	vld [tilespmem:s22+$0x30]  }
0x6c: {  	v20 =	vor.u32 s3, v3;
	v19 =	vld [tilespmem:s22+$0x0]  }
0x6d: {  	v21 =	vld [tilespmem:s22+$0x10]  }
0x6e: {  	v24 =	vld [tilespmem:s22+$0x20]  }
0x6f: {  	v22 =	vor.u32 s3, v2;
	v25 =	vld [tilespmem:s22+$0xFFFFFFC0]  }
0x70: {  	s21 =	simm.s32 $0x1;
	v28 =	vld [tilespmem:s22+$0xFFFFFFD0]  }
0x71: {  	v27 =	vor.u32 s21, v0;
	v20 =	vld.idx.msk [tilespmem:v20+s11+$0x0], $0xffff  }
0x72: {  	v29 =	vor.u32 s21, v1;
	v31 =	vld [tilespmem:s22+$0xFFFFFFF0];
	(erf) = vrcp.f32 v16  }
0x73: {  	(erf) = vrcp.f32 v19  }
0x74: {  	v30 =	vor.u32 s21, v2;
	v23 =	vld.idx.msk [tilespmem:v22+s11+$0x0], $0xffff;
	(erf) = vrcp.f32 v21  }
0x75: {  	v26 =	vld [tilespmem:s22+$0xFFFFFFE0];
	(erf) = vrcp.f32 v24  }
0x76: {  	v16 =	vld.idx.msk [tilespmem:v27+s11+$0x0], $0xffff;
	v22 =	vsub.f32 v17, v28  }
0x77: {  	s22 =	simm.s32 $0x82C0;
	v17 =	vld.idx.msk [tilespmem:v29+s11+$0x0], $0xffff;
	v27 =	vsub.f32 v20, v31;
	v21 =	vsub.f32 v18, v25  }
0x78: {  	v28 =	vld [tilespmem:s22+$0x30];
	v20 =	vimm.f32 $0.0e+00;
	v18 =	vimm.f32 $0.0e+00;
	v25 =	vand.u32 $0x7FFFFFFF, v22  }
0x79: {  	s23 =	simm.s32 $0x2;
	v19 =	vld.idx.msk [tilespmem:v30+s11+$0x0], $0xffff;
	v22 =	vimm.f32 $0.0e+00;
	v24 =	vand.u32 $0x7FFFFFFF, v21;
	v21 =	vimm.f32 $0.0e+00  }
.LBB2_2:
0x7a: {  	p0 =	sne.s32 s23, $0x7F;
	v29 =	vld [tilespmem:s22+$0x0];
	v30 =	vor.u32 s21, v3;
	v23 =	vsub.f32 v23, v26;
	s21 =	smov.u32 s23  }
0x7b: {  	v26 =	vld [tilespmem:s22+$0x10];
	v27 =	vand.u32 $0x7FFFFFFF, v27;
	v31 =	vpop (erf)  }
0x7c: {  	v32 =	vor.u32 s23, v0;
	v33 =	vld [tilespmem:s22+$0x20];
	v23 =	vand.u32 $0x7FFFFFFF, v23;
	v38 =	vmul.f32 v31, v27;
	v31 =	vpop (erf)  }
0x7d: {  	v34 =	vor.u32 s23, v1;
	v35 =	vor.u32 s23, v2;
	v36 =	vld [tilespmem:s22+$0xFFFFFFC0];
	v24 =	vmul.f32 v31, v24;
	v31 =	vpop (erf)  }
0x7e: {  	v37 =	vld [tilespmem:s22+$0xFFFFFFD0];
	(erf) = vrcp.f32 v28;
	v25 =	vmul.f32 v31, v25;
	v18 =	vadd.f32 v38, v18;
	v27 =	vpop (erf)  }
0x7f: {  	v30 =	vld.idx.msk [tilespmem:v30+s11+$0x0], $0xffff;
	(erf) = vrcp.f32 v29;
	v22 =	vadd.f32 v24, v22;
	v24 =	vmul.f32 v27, v23;
	v23 =	vmovc v19  }
0x80: {  	v27 =	vld [tilespmem:s22+$0xFFFFFFF0];
	(erf) = vrcp.f32 v26;
	v20 =	vadd.f32 v25, v20  }
.Ltmp0:
0x81: {  	v26 =	vld [tilespmem:s22+$0xFFFFFFE0];
	(erf) = vrcp.f32 v33;
	v21 =	vadd.f32 v24, v21;
	(pc) =	sbr.rel @p0 .LBB2_2-.Ltmp0, $4  }
0x82: {  	v24 =	vsub.f32 v16, v36;
	v16 =	vld.idx.msk [tilespmem:v32+s11+$0x0], $0xffff  }
0x83: {  	v25 =	vsub.f32 v17, v37;
	v17 =	vld.idx.msk [tilespmem:v34+s11+$0x0], $0xffff  }
0x84: {  	s22 =	sadd.s32 $0x80, s22;
	v19 =	vld.idx.msk [tilespmem:v35+s11+$0x0], $0xffff;
	v24 =	vand.u32 $0x7FFFFFFF, v24  }
0x85: {  	s23 =	sadd.s32 $0x1, s23;
	v28 =	vld [tilespmem:s22+$0x30];
	v25 =	vand.u32 $0x7FFFFFFF, v25;
	v27 =	vsub.f32 v30, v27  }
0x86: {  	v29 =	vld [tilespmem:s22+$0x0]  }
0x87: {  	v30 =	vld [tilespmem:s22+$0x10]  }
0x88: {  	v31 =	vld [tilespmem:s22+$0x20];
	_ =	sdelay $0x1  }
0x89: {  	(erf) = vrcp.f32 v28  }
0x8a: {  	(erf) = vrcp.f32 v29  }
0x8b: {  	(erf) = vrcp.f32 v30  }
0x8c: {  	(erf) = vrcp.f32 v31;
	_ =	sdelay $0x1  }
0x8d: {  	v28 =	vpop (erf)  }
0x8e: {  	v30 =	vpop (erf)  }
0x8f: {  	v31 =	vpop (erf)  }
0x90: {  	v29 =	vor.u32 s21, v3;
	v32 =	vpop (erf)  }
0x91: {  	v33 =	vld [tilespmem:s22+$0xFFFFFFC0];
	v35 =	vpop (erf)  }
0x92: {  	v34 =	vld [tilespmem:s22+$0xFFFFFFD0];
	v36 =	vpop (erf)  }
0x93: {  	v37 =	vld [tilespmem:s22+$0xFFFFFFF0];
	v38 =	vpop (erf)  }
0x94: {  	v39 =	vld [tilespmem:s22+$0xFFFFFFE0];
	v40 =	vpop (erf)  }
0x95: {  	s29 =	simm.s32 $0x0;
	v29 =	vld.idx.msk [tilespmem:v29+s11+$0x0], $0xffff;
	_ =	swait.ge [sflag:s16], $0x4000  }
0x96: {  	v41 =	vmov s29;
	[sflag:s16] =	ssyncset.done $0x0  }
0x97: {  	s30 =	simm.s32 $0x0;
	v41 =	vand.u32 $0x7F, v41;
	[sflag:s16] =	ssyncadd.s32 $0xFFFFC000  }
0x98: {  	v27 =	vand.u32 $0x7FFFFFFF, v27;
	v41 =	vbroadcast v41, $0x0;
	[tilespmem:s13], [sflag:$0x1] =	stream.indirect.gather [hbm4b:s2+s12], $0x80, s17, s12, $0xb8;
	[tilespmem:$0x10280] =	vst v63  }
0x99: {  	v23 =	vsub.f32 v23, v26;
	v27 =	vmul.f32 v28, v27;
	v26 =	vld [tilespmem:s30+$0xC270]  }
0x9a: {  	v43 =	vor.u32 v7, v41;
	v42 =	vld [tilespmem:s30+$0xC240]  }
0x9b: {  	v23 =	vand.u32 $0x7FFFFFFF, v23;
	v24 =	vmul.f32 v30, v24;
	v18 =	vadd.f32 v27, v18;
	v28 =	vld [tilespmem:s30+$0xC250]  }
0x9c: {  	v27 =	vor.u32 v5, v41;
	v25 =	vmul.f32 v31, v25;
	v23 =	vmul.f32 v32, v23;
	v31 =	vld [tilespmem:s30+$0xC260]  }
0x9d: {  	v22 =	vadd.f32 v24, v22;
	v24 =	vsub.f32 v29, v37;
	v29 =	vor.u32 v6, v41;
	v57 =	vld [tilespmem:s30+$0xC200]  }
0x9e: {  	v16 =	vsub.f32 v16, v33;
	v30 =	vor.u32 v4, v41;
	v58 =	vld [tilespmem:s30+$0xC210]  }
0x9f: {  	v17 =	vsub.f32 v17, v34;
	v21 =	vadd.f32 v23, v21;
	v23 =	vld.idx.msk [tilespmem:v43+s11+$0x0], $0xffff  }
0xa0: {  	v19 =	vsub.f32 v19, v39;
	v20 =	vadd.f32 v25, v20;
	v25 =	vld [tilespmem:s30+$0xC230]  }
0xa1: {  	v16 =	vand.u32 $0x7FFFFFFF, v16;
	v17 =	vand.u32 $0x7FFFFFFF, v17;
	v27 =	vld.idx.msk [tilespmem:v27+s11+$0x0], $0xffff;
	(erf) = vrcp.f32 v26  }
0xa2: {  	s31 =	simm.s32 $0x1;
	v19 =	vand.u32 $0x7FFFFFFF, v19;
	v16 =	vmul.f32 v36, v16;
	v29 =	vld.idx.msk [tilespmem:v29+s11+$0x0], $0xffff;
	(erf) = vrcp.f32 v42  }
0xa3: {  	v17 =	vmul.f32 v38, v17;
	v26 =	vld.idx.msk [tilespmem:v30+s11+$0x0], $0xffff;
	(erf) = vrcp.f32 v28;
	v28 =	vmov s31  }
0xa4: {  	s21 =	simm.s32 $0x80;
	v24 =	vand.u32 $0x7FFFFFFF, v24;
	v30 =	vld [tilespmem:s30+$0xC220];
	v28 =	vand.u32 $0x7F, v28;
	(erf) = vrcp.f32 v31  }
0xa5: {  	v19 =	vmul.f32 v40, v19;
	v59 =	vadd.f32 v16, v22;
	v31 =	vld [tilespmem:s21+$0xC270];
	v28 =	vbroadcast v28, $0x0  }
0xa6: {  	v24 =	vmul.f32 v35, v24;
	v60 =	vadd.f32 v17, v20;
	v22 =	vsub.f32 v23, v25;
	v23 =	vld [tilespmem:s21+$0xC240]  }
0xa7: {  	v16 =	vadd.f32 v19, v21;
	v19 =	vld [tilespmem:s21+$0xC250];
	v27 =	vsub.f32 v27, v58;
	v25 =	vor.u32 v7, v28  }
0xa8: {  	v18 =	vadd.f32 v24, v18;
	v20 =	vand.u32 $0x7FFFFFFF, v22;
	v21 =	vsub.f32 v26, v57  }
0xa9: {  	v27 =	vand.u32 $0x7FFFFFFF, v27;
	v26 =	vld [tilespmem:s21+$0xC260];
	v29 =	vsub.f32 v29, v30;
	v17 =	vor.u32 v4, v28  }
0xaa: {  	v61 =	vor.u32 v5, v28;
	v63 =	vand.u32 $0x7FFFFFFF, v21;
	v21 =	vld [tilespmem:s21+$0xC210];
	v22 =	vpop (erf);
	(erf) = vrcp.f32 v31  }
0xab: {  	v24 =	vor.u32 v6, v28;
	v28 =	vmul.f32 v22, v20;
	v20 =	vld [tilespmem:s21+$0xC200];
	v62 =	vpop (erf);
	(erf) = vrcp.f32 v23  }
0xac: {  	v30 =	vpop (erf);
	v22 =	vld.idx.msk [tilespmem:v25+s11+$0x0], $0xffff;
	v31 =	vmul.f32 v62, v63;
	(erf) = vrcp.f32 v19  }
0xad: {  	v25 =	vld [tilespmem:s21+$0xC230];
	v18 =	vadd.f32 v28, v18;
	v19 =	vmul.f32 v30, v27;
	v27 =	vpop (erf);
	v28 =	vand.u32 $0x7FFFFFFF, v29  }
0xae: {  	s22 =	simm.s32 $0x2;
	v23 =	vld.idx.msk [tilespmem:v17+s11+$0x0], $0xffff;
	(erf) = vrcp.f32 v26;
	v27 =	vmul.f32 v27, v28  }
0xaf: {  	s23 =	simm.s32 $0x400;
	s24 =	simm.s32 $0x600;
	v26 =	vld.idx.msk [tilespmem:v61+s11+$0x0], $0xffff;
	v17 =	vadd.f32 v31, v59;
	v28 =	vmov s22;
	v19 =	vadd.f32 v19, v60  }
.LBB2_4:
0xb0: {  	p0 =	sne.s32 s24, $0xFE00;
	v28 =	vand.u32 $0x7F, v28;
	v29 =	vld.idx.msk [tilespmem:v24+s11+$0x0], $0xffff;
	v16 =	vadd.f32 v27, v16  }
0xb1: {  	v24 =	vbroadcast v28, $0x0;
	v27 =	vld [tilespmem:s21+$0xC220];
	s21 =	sshra.s32 s23, $0x2;
	s23 =	smov.u32 s24  }
0xb2: {  	v28 =	vld [tilespmem:s21+$0xC270];
	v34 =	vsub.f32 v22, v25  }
0xb3: {  	v30 =	vor.u32 v4, v24;
	v25 =	vld [tilespmem:s21+$0xC240];
	v31 =	vor.u32 v5, v24;
	v32 =	vor.u32 v7, v24  }
0xb4: {  	v24 =	vor.u32 v6, v24;
	v23 =	vsub.f32 v23, v20;
	v33 =	vld [tilespmem:s21+$0xC250];
	v20 =	vand.u32 $0x7FFFFFFF, v34;
	v22 =	vpop (erf)  }
0xb5: {  	v26 =	vsub.f32 v26, v21;
	v34 =	vld [tilespmem:s21+$0xC260];
	v22 =	vmul.f32 v22, v20;
	v35 =	vpop (erf)  }
0xb6: {  	v23 =	vand.u32 $0x7FFFFFFF, v23;
	v20 =	vld [tilespmem:s21+$0xC200];
	v27 =	vsub.f32 v29, v27;
	v29 =	vpop (erf)  }
.Ltmp1:
0xb7: {  	v26 =	vand.u32 $0x7FFFFFFF, v26;
	v21 =	vld [tilespmem:s21+$0xC210];
	(erf) = vrcp.f32 v28;
	v18 =	vadd.f32 v22, v18;
	v28 =	vpop (erf);
	(pc) =	sbr.rel @p0 .LBB2_4-.Ltmp1, $4  }
0xb8: {  	v22 =	vld.idx.msk [tilespmem:v32+s11+$0x0], $0xffff;
	(erf) = vrcp.f32 v25;
	v32 =	vmul.f32 v35, v23;
	v27 =	vand.u32 $0x7FFFFFFF, v27  }
0xb9: {  	v29 =	vmul.f32 v29, v26;
	v25 =	vld [tilespmem:s21+$0xC230];
	(erf) = vrcp.f32 v33  }
0xba: {  	s22 =	sadd.s32 $0x1, s22;
	v27 =	vmul.f32 v28, v27;
	v23 =	vld.idx.msk [tilespmem:v30+s11+$0x0], $0xffff;
	(erf) = vrcp.f32 v34;
	v17 =	vadd.f32 v32, v17  }
0xbb: {  	s24 =	sadd.s32 $0x200, s24;
	v28 =	vmov s22;
	v19 =	vadd.f32 v29, v19;
	v26 =	vld.idx.msk [tilespmem:v31+s11+$0x0], $0xffff  }
0xbc: {  	s22 =	sshra.s32 s23, $0x2  }
0xbd: {  	v29 =	vld [tilespmem:s22+$0xC270]  }
0xbe: {  	v30 =	vld [tilespmem:s22+$0xC240]  }
0xbf: {  	v31 =	vld [tilespmem:s22+$0xC250]  }
0xc0: {  	v32 =	vld [tilespmem:s22+$0xC260];
	_ =	sdelay $0x1  }
0xc1: {  	(erf) = vrcp.f32 v29  }
0xc2: {  	(erf) = vrcp.f32 v30  }
0xc3: {  	v28 =	vand.u32 $0x7F, v28;
	(erf) = vrcp.f32 v31  }
0xc4: {  	v28 =	vbroadcast v28, $0x0;
	(erf) = vrcp.f32 v32  }
0xc5: {  	v24 =	vld.idx.msk [tilespmem:v24+s11+$0x0], $0xffff  }
0xc6: {  	v34 =	vld [tilespmem:s22+$0xC200];
	v33 =	vor.u32 v5, v28;
	v56 =	vpop (erf)  }
0xc7: {  	v36 =	vld [tilespmem:s22+$0xC210];
	v35 =	vpop (erf);
	v29 =	vor.u32 v7, v28  }
0xc8: {  	v39 =	vld [tilespmem:s22+$0xC230];
	v37 =	vpop (erf);
	v31 =	vor.u32 v4, v28  }
0xc9: {  	v43 =	vld [tilespmem:s22+$0xC220];
	v38 =	vpop (erf);
	v28 =	vor.u32 v6, v28  }
0xca: {  	v30 =	vld [tilespmem:s21+$0xC220];
	v40 =	vpop (erf)  }
0xcb: {  	v33 =	vld.idx.msk [tilespmem:v33+s11+$0x0], $0xffff;
	v41 =	vpop (erf)  }
0xcc: {  	v29 =	vld.idx.msk [tilespmem:v29+s11+$0x0], $0xffff;
	v42 =	vpop (erf)  }
0xcd: {  	s28 =	simm.s32 $0x0;
	v31 =	vld.idx.msk [tilespmem:v31+s11+$0x0], $0xffff;
	v44 =	vpop (erf)  }
0xce: {  	v22 =	vsub.f32 v22, v25;
	v25 =	vmov s28;
	v28 =	vld.idx.msk [tilespmem:v28+s11+$0x0], $0xffff;
	_ =	swait.ge [sflag:s14], $0x4000  }
0xcf: {  	v25 =	vand.u32 $0x7F, v25;
	[sflag:s14] =	ssyncset.done $0x0  }
0xd0: {  	s29 =	simm.s32 $0x8240;
	v20 =	vsub.f32 v23, v20;
	v22 =	vand.u32 $0x7FFFFFFF, v22;
	v25 =	vbroadcast v25, $0x0;
	[sflag:s14] =	ssyncadd.s32 $0xFFFFC000  }
0xd1: {  	v16 =	vadd.f32 v27, v16;
	v21 =	vsub.f32 v26, v21;
	v22 =	vmul.f32 v56, v22;
	[tilespmem:s15], [sflag:$0x2] =	stream.indirect.gather [hbm4b:s2+s12], $0x80, s18, s12, $0xb8;
	[tilespmem:$0x10280] =	vst v63  }
0xd2: {  	v20 =	vand.u32 $0x7FFFFFFF, v20;
	v27 =	vor.u32 v11, v25;
	v24 =	vsub.f32 v24, v30;
	v23 =	vld [tilespmem:s29+$0x30]  }
0xd3: {  	v21 =	vand.u32 $0x7FFFFFFF, v21;
	v20 =	vmul.f32 v35, v20;
	v58 =	vor.u32 v9, v25;
	v26 =	vld [tilespmem:s29+$0x0]  }
0xd4: {  	v18 =	vadd.f32 v22, v18;
	v21 =	vmul.f32 v37, v21;
	v24 =	vand.u32 $0x7FFFFFFF, v24;
	v22 =	vld [tilespmem:s29+$0x10]  }
0xd5: {  	v30 =	vor.u32 v8, v25;
	v25 =	vor.u32 v10, v25;
	v24 =	vmul.f32 v38, v24;
	v57 =	vld [tilespmem:s29+$0x20]  }
0xd6: {  	v17 =	vadd.f32 v20, v17;
	v20 =	vsub.f32 v29, v39;
	v59 =	vld [tilespmem:s29+$0xFFFFFFC0]  }
0xd7: {  	v19 =	vadd.f32 v21, v19;
	v16 =	vadd.f32 v24, v16;
	v21 =	vld.idx.msk [tilespmem:v27+s11+$0x0], $0xffff  }
0xd8: {  	v24 =	vsub.f32 v33, v36;
	v20 =	vand.u32 $0x7FFFFFFF, v20;
	v27 =	vld [tilespmem:s29+$0xFFFFFFF0];
	(erf) = vrcp.f32 v23  }
0xd9: {  	v28 =	vsub.f32 v28, v43;
	v20 =	vmul.f32 v40, v20;
	v29 =	vld [tilespmem:s29+$0xFFFFFFD0]  }
0xda: {  	s30 =	simm.s32 $0x1;
	v24 =	vand.u32 $0x7FFFFFFF, v24;
	v25 =	vld.idx.msk [tilespmem:v25+s11+$0x0], $0xffff;
	v23 =	vsub.f32 v31, v34;
	(erf) = vrcp.f32 v26  }
0xdb: {  	v28 =	vand.u32 $0x7FFFFFFF, v28;
	v31 =	vld [tilespmem:s29+$0xFFFFFFE0];
	(erf) = vrcp.f32 v22;
	v22 =	vmov s30  }
0xdc: {  	v26 =	vld.idx.msk [tilespmem:v30+s11+$0x0], $0xffff;
	v23 =	vand.u32 $0x7FFFFFFF, v23;
	v22 =	vand.u32 $0x7F, v22;
	(erf) = vrcp.f32 v57  }
0xdd: {  	s21 =	simm.s32 $0x82C0;
	v21 =	vsub.f32 v21, v27;
	v30 =	vld.idx.msk [tilespmem:v58+s11+$0x0], $0xffff;
	v23 =	vmul.f32 v41, v23;
	v22 =	vbroadcast v22, $0x0  }
0xde: {  	v18 =	vadd.f32 v20, v18;
	v20 =	vmul.f32 v42, v24;
	v24 =	vmul.f32 v44, v28;
	v28 =	vld [tilespmem:s21+$0x30]  }
0xdf: {  	v27 =	vld [tilespmem:s21+$0x0];
	v17 =	vadd.f32 v23, v17;
	v23 =	vor.u32 v11, v22  }
0xe0: {  	v19 =	vadd.f32 v20, v19;
	v16 =	vadd.f32 v24, v16;
	v60 =	vld [tilespmem:s21+$0x10];
	v20 =	vand.u32 $0x7FFFFFFF, v21  }
0xe1: {  	v62 =	vld [tilespmem:s21+$0x20];
	v25 =	vsub.f32 v25, v31;
	v24 =	vor.u32 v8, v22;
	v26 =	vsub.f32 v26, v59;
	v21 =	vpop (erf)  }
0xe2: {  	v61 =	vor.u32 v9, v22;
	v29 =	vsub.f32 v30, v29;
	v30 =	vmul.f32 v21, v20;
	v20 =	vld [tilespmem:s21+$0xFFFFFFC0]  }
0xe3: {  	v22 =	vor.u32 v10, v22;
	v26 =	vand.u32 $0x7FFFFFFF, v26;
	(erf) = vrcp.f32 v28;
	v63 =	vpop (erf);
	v21 =	vld [tilespmem:s21+$0xFFFFFFD0]  }
0xe4: {  	v29 =	vand.u32 $0x7FFFFFFF, v29;
	(erf) = vrcp.f32 v27;
	v28 =	vpop (erf);
	v23 =	vld.idx.msk [tilespmem:v23+s11+$0x0], $0xffff;
	v27 =	vmul.f32 v63, v26  }
0xe5: {  	v25 =	vand.u32 $0x7FFFFFFF, v25;
	v26 =	vld [tilespmem:s21+$0xFFFFFFF0];
	(erf) = vrcp.f32 v60;
	v29 =	vmul.f32 v28, v29;
	v28 =	vpop (erf)  }
0xe6: {  	s31 =	simm.s32 $0x2;
	v24 =	vld.idx.msk [tilespmem:v24+s11+$0x0], $0xffff;
	(erf) = vrcp.f32 v62;
	v17 =	vadd.f32 v27, v17;
	v27 =	vmul.f32 v28, v25  }
0xe7: {  	s22 =	simm.s32 $0x3;
	v18 =	vadd.f32 v30, v18;
	v28 =	vmov s31;
	v25 =	vld.idx.msk [tilespmem:v61+s11+$0x0], $0xffff;
	v19 =	vadd.f32 v29, v19  }
.LBB2_6:
0xe8: {  	p0 =	sne.s32 s22, $0x7F;
	v28 =	vand.u32 $0x7F, v28;
	v29 =	vld.idx.msk [tilespmem:v22+s11+$0x0], $0xffff;
	v16 =	vadd.f32 v27, v16  }
0xe9: {  	v22 =	vbroadcast v28, $0x0;
	v27 =	vld [tilespmem:s21+$0xFFFFFFE0];
	s21 =	sadd.s32 $0x80, s21  }
0xea: {  	v28 =	vld [tilespmem:s21+$0x30];
	v34 =	vsub.f32 v23, v26  }
0xeb: {  	v30 =	vor.u32 v8, v22;
	v26 =	vld [tilespmem:s21+$0x0];
	v31 =	vor.u32 v9, v22;
	v32 =	vor.u32 v11, v22  }
0xec: {  	v22 =	vor.u32 v10, v22;
	v24 =	vsub.f32 v24, v20;
	v33 =	vld [tilespmem:s21+$0x10];
	v20 =	vand.u32 $0x7FFFFFFF, v34;
	v23 =	vpop (erf)  }
0xed: {  	v25 =	vsub.f32 v25, v21;
	v34 =	vld [tilespmem:s21+$0x20];
	v23 =	vmul.f32 v23, v20;
	v35 =	vpop (erf)  }
0xee: {  	v24 =	vand.u32 $0x7FFFFFFF, v24;
	v20 =	vld [tilespmem:s21+$0xFFFFFFC0];
	v27 =	vsub.f32 v29, v27;
	v29 =	vpop (erf)  }
.Ltmp2:
0xef: {  	v25 =	vand.u32 $0x7FFFFFFF, v25;
	v21 =	vld [tilespmem:s21+$0xFFFFFFD0];
	(erf) = vrcp.f32 v28;
	v18 =	vadd.f32 v23, v18;
	v28 =	vpop (erf);
	(pc) =	sbr.rel @p0 .LBB2_6-.Ltmp2, $4  }
0xf0: {  	v23 =	vld.idx.msk [tilespmem:v32+s11+$0x0], $0xffff;
	(erf) = vrcp.f32 v26;
	v32 =	vmul.f32 v35, v24;
	v27 =	vand.u32 $0x7FFFFFFF, v27  }
0xf1: {  	v29 =	vmul.f32 v29, v25;
	v26 =	vld [tilespmem:s21+$0xFFFFFFF0];
	(erf) = vrcp.f32 v33  }
0xf2: {  	v27 =	vmul.f32 v28, v27;
	v24 =	vld.idx.msk [tilespmem:v30+s11+$0x0], $0xffff;
	(erf) = vrcp.f32 v34;
	v17 =	vadd.f32 v32, v17  }
0xf3: {  	v28 =	vmov s22;
	s22 =	sadd.s32 $0x1, s22;
	v19 =	vadd.f32 v29, v19;
	v25 =	vld.idx.msk [tilespmem:v31+s11+$0x0], $0xffff  }
0xf4: {  	s22 =	sadd.s32 $0x80, s21  }
0xf5: {  	v29 =	vld [tilespmem:s22+$0x30]  }
0xf6: {  	v30 =	vld [tilespmem:s22+$0x0]  }
0xf7: {  	v31 =	vld [tilespmem:s22+$0x10]  }
0xf8: {  	v32 =	vld [tilespmem:s22+$0x20];
	_ =	sdelay $0x1  }
0xf9: {  	(erf) = vrcp.f32 v29  }
0xfa: {  	(erf) = vrcp.f32 v30  }
0xfb: {  	v28 =	vand.u32 $0x7F, v28;
	(erf) = vrcp.f32 v31  }
0xfc: {  	v28 =	vbroadcast v28, $0x0;
	(erf) = vrcp.f32 v32  }
0xfd: {  	v22 =	vld.idx.msk [tilespmem:v22+s11+$0x0], $0xffff  }
0xfe: {  	v34 =	vld [tilespmem:s22+$0xFFFFFFC0];
	v33 =	vor.u32 v9, v28;
	v55 =	vpop (erf)  }
0xff: {  	v36 =	vld [tilespmem:s22+$0xFFFFFFD0];
	v35 =	vpop (erf);
	v29 =	vor.u32 v11, v28  }
0x100: {  	v39 =	vld [tilespmem:s22+$0xFFFFFFF0];
	v37 =	vpop (erf);
	v31 =	vor.u32 v8, v28  }
0x101: {  	v43 =	vld [tilespmem:s22+$0xFFFFFFE0];
	v38 =	vpop (erf);
	v28 =	vor.u32 v10, v28  }
0x102: {  	v30 =	vld [tilespmem:s21+$0xFFFFFFE0];
	v40 =	vpop (erf)  }
0x103: {  	s29 =	simm.s32 $0x0;
	v33 =	vld.idx.msk [tilespmem:v33+s11+$0x0], $0xffff;
	v41 =	vpop (erf)  }
0x104: {  	v23 =	vsub.f32 v23, v26;
	v26 =	vmov s29;
	v29 =	vld.idx.msk [tilespmem:v29+s11+$0x0], $0xffff;
	v42 =	vpop (erf)  }
0x105: {  	v26 =	vand.u32 $0x7F, v26;
	v31 =	vld.idx.msk [tilespmem:v31+s11+$0x0], $0xffff;
	v44 =	vpop (erf)  }
0x106: {  	v20 =	vsub.f32 v24, v20;
	v26 =	vbroadcast v26, $0x0;
	v28 =	vld.idx.msk [tilespmem:v28+s11+$0x0], $0xffff;
	_ =	swait.ge [sflag:s16], $0x4000  }
0x107: {  	v16 =	vadd.f32 v27, v16;
	v23 =	vand.u32 $0x7FFFFFFF, v23;
	v21 =	vsub.f32 v25, v21;
	[sflag:s16] =	ssyncset.done $0x0  }
0x108: {  	s30 =	simm.s32 $0x0;
	v23 =	vmul.f32 v55, v23;
	v20 =	vand.u32 $0x7FFFFFFF, v20;
	v27 =	vor.u32 v15, v26;
	[sflag:s16] =	ssyncadd.s32 $0xFFFFC000  }
0x109: {  	v21 =	vand.u32 $0x7FFFFFFF, v21;
	v20 =	vmul.f32 v35, v20;
	v22 =	vsub.f32 v22, v30;
	v24 =	vld [tilespmem:s30+$0xC270]  }
0x10a: {  	v57 =	vor.u32 v13, v26;
	v18 =	vadd.f32 v23, v18;
	v21 =	vmul.f32 v37, v21;
	v25 =	vld [tilespmem:s30+$0xC240]  }
0x10b: {  	v30 =	vor.u32 v12, v26;
	v26 =	vor.u32 v14, v26;
	v22 =	vand.u32 $0x7FFFFFFF, v22;
	v23 =	vld [tilespmem:s30+$0xC250]  }
0x10c: {  	v17 =	vadd.f32 v20, v17;
	v22 =	vmul.f32 v38, v22;
	v56 =	vld [tilespmem:s30+$0xC260]  }
0x10d: {  	v19 =	vadd.f32 v21, v19;
	v20 =	vsub.f32 v29, v39;
	v58 =	vld [tilespmem:s30+$0xC200]  }
0x10e: {  	v16 =	vadd.f32 v22, v16;
	v22 =	vsub.f32 v31, v34;
	v21 =	vld.idx.msk [tilespmem:v27+s11+$0x0], $0xffff  }
0x10f: {  	v20 =	vand.u32 $0x7FFFFFFF, v20;
	v28 =	vsub.f32 v28, v43;
	v27 =	vld [tilespmem:s30+$0xC230]  }
0x110: {  	v20 =	vmul.f32 v40, v20;
	v22 =	vand.u32 $0x7FFFFFFF, v22;
	v26 =	vld.idx.msk [tilespmem:v26+s11+$0x0], $0xffff;
	(erf) = vrcp.f32 v24  }
0x111: {  	s31 =	simm.s32 $0x1;
	v28 =	vand.u32 $0x7FFFFFFF, v28;
	v22 =	vmul.f32 v41, v22;
	v31 =	vld [tilespmem:s30+$0xC220];
	(erf) = vrcp.f32 v25  }
0x112: {  	v24 =	vsub.f32 v33, v36;
	v25 =	vld.idx.msk [tilespmem:v30+s11+$0x0], $0xffff;
	(erf) = vrcp.f32 v23;
	v23 =	vmov s31  }
0x113: {  	v18 =	vadd.f32 v20, v18;
	v29 =	vld [tilespmem:s30+$0xC210];
	v23 =	vand.u32 $0x7F, v23;
	(erf) = vrcp.f32 v56  }
0x114: {  	s21 =	simm.s32 $0x80;
	v59 =	vadd.f32 v22, v17;
	v30 =	vld.idx.msk [tilespmem:v57+s11+$0x0], $0xffff;
	v24 =	vand.u32 $0x7FFFFFFF, v24;
	v23 =	vbroadcast v23, $0x0  }
0x115: {  	v17 =	vsub.f32 v21, v27;
	v20 =	vmul.f32 v42, v24;
	v24 =	vmul.f32 v44, v28;
	v28 =	vld [tilespmem:s21+$0xC270]  }
0x116: {  	v27 =	vld [tilespmem:s21+$0xC240];
	v26 =	vsub.f32 v26, v31;
	v60 =	vor.u32 v15, v23  }
0x117: {  	v17 =	vand.u32 $0x7FFFFFFF, v17;
	v16 =	vadd.f32 v24, v16;
	v24 =	vld [tilespmem:s21+$0xC250];
	v21 =	vsub.f32 v25, v58  }
0x118: {  	v63 =	vld [tilespmem:s21+$0xC260];
	v61 =	vadd.f32 v20, v19;
	v19 =	vor.u32 v12, v23;
	v62 =	vor.u32 v13, v23  }
0x119: {  	v22 =	vor.u32 v14, v23;
	v23 =	vsub.f32 v30, v29;
	v29 =	vand.u32 $0x7FFFFFFF, v21;
	v21 =	vld [tilespmem:s21+$0xC210];
	v20 =	vpop (erf)  }
0x11a: {  	v26 =	vand.u32 $0x7FFFFFFF, v26;
	v17 =	vmul.f32 v20, v17;
	v20 =	vld [tilespmem:s21+$0xC200];
	v25 =	vpop (erf);
	(erf) = vrcp.f32 v28  }
0x11b: {  	v30 =	vand.u32 $0x7FFFFFFF, v23;
	v28 =	vpop (erf);
	v23 =	vld.idx.msk [tilespmem:v60+s11+$0x0], $0xffff;
	(erf) = vrcp.f32 v27;
	v27 =	vmul.f32 v25, v29  }
0x11c: {  	v25 =	vld [tilespmem:s21+$0xC230];
	v17 =	vadd.f32 v17, v18;
	(erf) = vrcp.f32 v24;
	v18 =	vmul.f32 v28, v30;
	v28 =	vpop (erf)  }
0x11d: {  	s23 =	simm.s32 $0x2;
	v24 =	vld.idx.msk [tilespmem:v19+s11+$0x0], $0xffff;
	(erf) = vrcp.f32 v63;
	v19 =	vadd.f32 v27, v59;
	v27 =	vmul.f32 v28, v26  }
0x11e: {  	s24 =	simm.s32 $0x600;
	s22 =	simm.s32 $0x400;
	v28 =	vmov s23;
	v26 =	vld.idx.msk [tilespmem:v62+s11+$0x0], $0xffff;
	v18 =	vadd.f32 v18, v61  }
.LBB2_8:
0x11f: {  	p0 =	sne.s32 s24, $0xFE00;
	v28 =	vand.u32 $0x7F, v28;
	v29 =	vld.idx.msk [tilespmem:v22+s11+$0x0], $0xffff;
	v16 =	vadd.f32 v27, v16  }
0x120: {  	v22 =	vbroadcast v28, $0x0;
	v27 =	vld [tilespmem:s21+$0xC220];
	s21 =	sshra.s32 s22, $0x2;
	s22 =	smov.u32 s24  }
0x121: {  	v28 =	vld [tilespmem:s21+$0xC270];
	v34 =	vsub.f32 v23, v25  }
0x122: {  	v30 =	vor.u32 v12, v22;
	v25 =	vld [tilespmem:s21+$0xC240];
	v31 =	vor.u32 v13, v22;
	v32 =	vor.u32 v15, v22  }
0x123: {  	v22 =	vor.u32 v14, v22;
	v24 =	vsub.f32 v24, v20;
	v33 =	vld [tilespmem:s21+$0xC250];
	v20 =	vand.u32 $0x7FFFFFFF, v34;
	v23 =	vpop (erf)  }
0x124: {  	v26 =	vsub.f32 v26, v21;
	v34 =	vld [tilespmem:s21+$0xC260];
	v23 =	vmul.f32 v23, v20;
	v35 =	vpop (erf)  }
0x125: {  	v24 =	vand.u32 $0x7FFFFFFF, v24;
	v20 =	vld [tilespmem:s21+$0xC200];
	v27 =	vsub.f32 v29, v27;
	v29 =	vpop (erf)  }
.Ltmp3:
0x126: {  	v26 =	vand.u32 $0x7FFFFFFF, v26;
	v21 =	vld [tilespmem:s21+$0xC210];
	(erf) = vrcp.f32 v28;
	v17 =	vadd.f32 v23, v17;
	v28 =	vpop (erf);
	(pc) =	sbr.rel @p0 .LBB2_8-.Ltmp3, $4  }
0x127: {  	v23 =	vld.idx.msk [tilespmem:v32+s11+$0x0], $0xffff;
	(erf) = vrcp.f32 v25;
	v32 =	vmul.f32 v35, v24;
	v27 =	vand.u32 $0x7FFFFFFF, v27  }
0x128: {  	v29 =	vmul.f32 v29, v26;
	v25 =	vld [tilespmem:s21+$0xC230];
	(erf) = vrcp.f32 v33  }
0x129: {  	s23 =	sadd.s32 $0x1, s23;
	v27 =	vmul.f32 v28, v27;
	v24 =	vld.idx.msk [tilespmem:v30+s11+$0x0], $0xffff;
	(erf) = vrcp.f32 v34;
	v19 =	vadd.f32 v32, v19  }
0x12a: {  	s24 =	sadd.s32 $0x200, s24;
	v28 =	vmov s23;
	v18 =	vadd.f32 v29, v18;
	v26 =	vld.idx.msk [tilespmem:v31+s11+$0x0], $0xffff  }
0x12b: {  	_ =	sdelay $0x3  }
0x12c: {  	v22 =	vld.idx.msk [tilespmem:v22+s11+$0x0], $0xffff  }
0x12d: {  	s22 =	sshra.s32 s22, $0x2;
	v29 =	vld [tilespmem:s21+$0xC220]  }
0x12e: {  	v28 =	vand.u32 $0x7F, v28;
	v30 =	vld [tilespmem:s22+$0xC270]  }
0x12f: {  	v28 =	vbroadcast v28, $0x0;
	v31 =	vld [tilespmem:s22+$0xC240]  }
0x130: {  	v33 =	vld [tilespmem:s22+$0xC250]  }
0x131: {  	v35 =	vld [tilespmem:s22+$0xC260];
	v32 =	vor.u32 v15, v28  }
0x132: {  	v37 =	vld [tilespmem:s22+$0xC200];
	v34 =	vor.u32 v12, v28  }
0x133: {  	v38 =	vld [tilespmem:s22+$0xC210];
	v36 =	vor.u32 v13, v28  }
0x134: {  	v42 =	vld [tilespmem:s22+$0xC230];
	v28 =	vor.u32 v14, v28;
	(erf) = vrcp.f32 v30  }
0x135: {  	v47 =	vld [tilespmem:s22+$0xC220];
	(erf) = vrcp.f32 v31  }
0x136: {  	v23 =	vsub.f32 v23, v25;
	v41 =	vld.idx.msk [tilespmem:v32+s11+$0x0], $0xffff;
	(erf) = vrcp.f32 v33  }
0x137: {  	v20 =	vsub.f32 v24, v20;
	v43 =	vld.idx.msk [tilespmem:v34+s11+$0x0], $0xffff;
	(erf) = vrcp.f32 v35  }
0x138: {  	v45 =	vpop (erf);
	v23 =	vand.u32 $0x7FFFFFFF, v23;
	v44 =	vld.idx.msk [tilespmem:v36+s11+$0x0], $0xffff  }
0x139: {  	v21 =	vsub.f32 v26, v21;
	v23 =	vmul.f32 v45, v23;
	v48 =	vpop (erf);
	v20 =	vand.u32 $0x7FFFFFFF, v20;
	v46 =	vld.idx.msk [tilespmem:v28+s11+$0x0], $0xffff  }
0x13a: {  	v16 =	vadd.f32 v27, v16;
	v20 =	vmul.f32 v48, v20  }
0x13b: {  	v22 =	vsub.f32 v22, v29;
	v49 =	vpop (erf);
	v21 =	vand.u32 $0x7FFFFFFF, v21;
	v17 =	vadd.f32 v23, v17  }
0x13c: {  	v50 =	vpop (erf);
	v21 =	vmul.f32 v49, v21;
	v19 =	vadd.f32 v20, v19;
	v51 =	vsub.f32 v41, v42  }
0x13d: {  	v22 =	vand.u32 $0x7FFFFFFF, v22;
	v53 =	vsub.f32 v43, v37;
	v56 =	vsub.f32 v44, v38;
	v54 =	vpop (erf)  }
0x13e: {  	v52 =	vmul.f32 v50, v22;
	v18 =	vadd.f32 v21, v18;
	v24 =	vsub.f32 v46, v47;
	v57 =	vpop (erf)  }
0x13f: {  	v55 =	vand.u32 $0x7FFFFFFF, v51;
	v22 =	vand.u32 $0x7FFFFFFF, v53;
	v60 =	vand.u32 $0x7FFFFFFF, v56;
	v59 =	vpop (erf)  }
0x140: {  	v24 =	vand.u32 $0x7FFFFFFF, v24;
	v58 =	vmul.f32 v54, v55;
	v22 =	vmul.f32 v57, v22;
	v61 =	vpop (erf)  }
0x141: {  	v16 =	vadd.f32 v52, v16;
	v62 =	vmul.f32 v59, v60;
	v63 =	vmul.f32 v61, v24  }
0x142: {  	v17 =	vadd.f32 v58, v17;
	v19 =	vadd.f32 v22, v19  }
0x143: {  	v18 =	vadd.f32 v62, v18;
	v16 =	vadd.f32 v63, v16;
	_ =	sdelay $0x1  }
0x144: {  	v18 =	vadd.f32 v18, v19;
	v16 =	vadd.f32 v17, v16;
	_ =	sdelay $0x1  }
0x145: {  	s20 =	sadd.s32 $0x1, s20;
	v16 =	vadd.f32 v16, v18  }
0x146: {  	p0 =	sne.s32 s20, s7  }
.Ltmp4:
0x147: {  	[tilespmem:$0x10200] =	vst v16;
	(pc) =	sbr.rel @p0 .LBB2_1-.Ltmp4, $4  }
0x148: {  	[hbm4b:s6+s3] =	stream.linear.scatter [tilespmem:s19], [sflag:$0x3], $0x80, $0x38;
	[tilespmem:$0x10280] =	vst v63  }
0x149: {  	_ =	swait.ge [sflag:s8], $0x80  }
0x14a: {  	[sflag:s8] =	ssyncset.done $0x0  }
0x14b: {  	[sflag:s8] =	ssyncadd.s32 $0xFFFFFF80  }
0x14c: {  	_ =	sfence.sel $0x180000  }
0x14d: {  	[bflag:$0x0] =	sbarrier.arrive $0xFFFF  }
0x14e: {  	p0 =	sne.s32 s0, $0x0;
	_ =	strace $0x90000047  }
0x14f: {  	s0 =	sadd.s32 @!p0 $0x100000, s1;
	[bflag:$0x2] =	sbarrier.arrive $0xFFFF  }
0x150: {  	[sflag:s0] =	ssyncadd.tile.s32 @!p0 $0x1;
	_ =	shalt  }
.Lfunc_end2:
_tile_overlayer_lowered:
.L_overlay_start_2:
0x151: {  	(tag) =	ssettag $0x2  }
0x152: {  	s0 =	rddreg [dreg:$0x0];
	s2 =	stileid.u32  }
0x153: {  	s1 =	rddreg [dreg:$0x1];
	p0 =	sne.s32 s2, $0x0  }
0x154: {  	s3 =	rddreg [dreg:$0x2];
	[bflag:$0x3] =	sbarrier.arrive $0xFFFF;
	s2 =	simm.s32 @!p0 $0x1C03  }
0x155: {  	[timem:s3], [sflag:s2] =	dma.local @!p0 [hbm:s0], s1  }
0x156: {  	s0 =	simm.s32 @!p0 $0x3  }
0x157: {  	_ =	swait.ge @!p0 [sflag:s0], s1  }
0x158: {  	s1 =	ssub.s32 @!p0 $0x0, s1;
	[sflag:s0] =	ssyncset.done @!p0 $0x0  }
0x159: {  	[sflag:s0] =	ssyncadd.s32 @!p0 s1  }
0x15a: {  	[bflag:$0x3] =	sbarrier.arrive $0xFFFF  }
0x15b: {  	_ =	shalt  }

</sc_bundles>
